<compile_context>
chip_gen: v7x
topology: tpu7x:2x2x1
jax: 0.10.2.dev20260603
libtpu: 0.0.44.dev20260713+nightly
codegen_flags: <defaults>
</compile_context>

<pallas_src>
import functools

import jax
import jax.numpy as jnp
from jax import lax
from jax.experimental import pallas as pl
from jax.experimental.pallas import tpu as pltpu
from jax.experimental.pallas import tpu_sc as plsc

NU = 8
H = 128
T = 10
BUFN = 50000
D = 512
PER = D // NU
B = 4096
TP = 128

CHUNKS = B // 16


def _tc_body(data_ref, bw_ref, bb_ref, lw_ref, lb_ref, y_ref, w_sc, c_sc):
    @pl.when(pl.program_id(0) == 0)
    def _():
        c = jnp.pad(lb_ref[...], ((0, 0), (0, TP - T)))
        for u in range(NU):
            lw_u = jnp.pad(lw_ref[pl.ds(u * H, H), :], ((0, 0), (0, TP - T)))
            w_sc[pl.ds(u * PER, PER), :] = jnp.dot(
                bw_ref[u], lw_u, preferred_element_type=jnp.float32)
            c = c + jnp.dot(bb_ref[pl.ds(u, 1), :], lw_u,
                            preferred_element_type=jnp.float32)
        c_sc[...] = c

    y_ref[...] = jnp.dot(data_ref[...], w_sc[...],
                         preferred_element_type=jnp.float32) + c_sc[...]


NROW = B // 128
OW = TP


def _sc_perm_body(ids_hbm, perm_hbm, ids_v, table_v, perm_v):
    cid = lax.axis_index("c")
    sid = lax.axis_index("s")

    @pl.when(jnp.logical_and(cid == 0, sid == 0))
    def _():
        pltpu.sync_copy(ids_hbm, ids_v)

        def scatter_step(i, carry):
            for u in range(8):
                base = (i * 8 + u) * 16
                idx = ids_v[pl.ds(base, 16)]
                vals = base + jnp.arange(16, dtype=jnp.int32)
                plsc.store_scatter(table_v, [idx], vals)
            return carry

        lax.fori_loop(0, CHUNKS // 8, scatter_step, 0)

        def fix_pass(_):
            def fp(j, acc):
                row = perm_v.at[j]
                for k in range(8):
                    base = j * 128 + k * 16
                    idx = ids_v[pl.ds(base, 16)]
                    vals = base + jnp.arange(16, dtype=jnp.int32)
                    g = plsc.load_gather(table_v, [idx])
                    m = g < vals
                    plsc.store_scatter(table_v, [idx], vals, mask=m)
                    row[pl.ds(k * 16, 16)] = jnp.where(m, vals, g)
                    acc = acc | m.astype(jnp.int32)
                return acc

            acc = lax.fori_loop(0, NROW, fp, jnp.zeros((16,), jnp.int32))
            return jnp.max(acc) > 0

        lax.while_loop(lambda c: c, fix_pass, fix_pass(True))
        pltpu.sync_copy(perm_v, perm_hbm)


def _sc_gather_body(y_hbm, perm_hbm, out_hbm, idx1_v, rows_v, sem):
    cid = lax.axis_index("c")
    sid = lax.axis_index("s")

    j = sid * 2 + cid
    pltpu.sync_copy(perm_hbm.at[j], idx1_v)
    pltpu.async_copy(y_hbm.at[idx1_v], rows_v, sem).wait()
    pltpu.sync_copy(rows_v, out_hbm.at[pl.ds(j * 128, 128)])


@functools.cache
def _sc_perm_kernel():
    return pl.kernel(
        _sc_perm_body,
        out_type=jax.ShapeDtypeStruct((NROW, 128), jnp.int32),
        mesh=plsc.VectorSubcoreMesh(core_axis_name="c", subcore_axis_name="s"),
        scratch_types=[
            pltpu.VMEM((B,), jnp.int32),
            pltpu.VMEM((BUFN,), jnp.int32),
            pltpu.VMEM((NROW, 128), jnp.int32),
        ],
        compiler_params=pltpu.CompilerParams(needs_layout_passes=False),
    )


@functools.cache
def _sc_gather_kernel():
    return pl.kernel(
        _sc_gather_body,
        out_type=jax.ShapeDtypeStruct((B, OW), jnp.float32),
        mesh=plsc.VectorSubcoreMesh(core_axis_name="c", subcore_axis_name="s"),
        scratch_types=[
            pltpu.VMEM((128,), jnp.int32),
            pltpu.VMEM((128, TP), jnp.float32),
            pltpu.SemaphoreType.DMA,
        ],
        compiler_params=pltpu.CompilerParams(needs_layout_passes=False),
    )


GB = 8


def kernel(data, ids, target, block_w, block_b, lin_w, lin_b, buffer):
    del target, buffer
    perm = _sc_perm_kernel()(ids.astype(jnp.int32))
    y = pl.pallas_call(
        _tc_body,
        grid=(GB,),
        in_specs=[
            pl.BlockSpec((B // GB, D), lambda i: (i, 0)),
            pl.BlockSpec((NU, PER, H), lambda i: (0, 0, 0)),
            pl.BlockSpec((NU, H), lambda i: (0, 0)),
            pl.BlockSpec((NU * H, T), lambda i: (0, 0)),
            pl.BlockSpec((1, T), lambda i: (0, 0)),
        ],
        out_specs=pl.BlockSpec((B // GB, TP), lambda i: (i, 0)),
        scratch_shapes=[
            pltpu.VMEM((D, TP), jnp.float32),
            pltpu.VMEM((1, TP), jnp.float32),
        ],
        out_shape=jax.ShapeDtypeStruct((B, TP), jnp.float32),
    )(data, block_w, block_b, lin_w, lin_b.reshape(1, T))
    out = _sc_gather_kernel()(y, perm)
    return out[:, :T]

# --- scband reference (transcript-rebuilt; emitter-appended) ---
"""Pipeline reference for scband-vafl-52982716563640 (READ-ONLY COPY).

The authoritative reference and input builder live on the scoring server;
editing this copy changes nothing except your own understanding.
"""

import jax, jax.numpy as jnp
import numpy as np

NUM_USERS = 8
HIDDEN = 128
TARGET = 10
BUF = 50000
D = 512
PER = D // NUM_USERS  # 64 features per user (feature_split)
B = 4096


def setup_inputs(seed: int = 0) -> dict:
    key = jax.random.key(seed)
    ks = jax.random.split(key, 6)
    data = jax.random.normal(ks[0], (B, D), dtype=jnp.float32)
    ids = jax.random.randint(ks[1], (B,), 0, BUF, dtype=jnp.int64 if jax.config.jax_enable_x64 else jnp.int32)
    target = jax.random.randint(ks[2], (B,), 0, TARGET, dtype=jnp.int64 if jax.config.jax_enable_x64 else jnp.int32)
    # learned params: one feature block (Linear PER->HIDDEN) per user, stacked
    block_w = jax.random.normal(ks[3], (NUM_USERS, PER, HIDDEN), dtype=jnp.float32) * 0.05
    block_b = jnp.zeros((NUM_USERS, HIDDEN), dtype=jnp.float32)
    # final fusion linear: Linear(hidden_size * num_users -> target_size)
    lin_w = jax.random.normal(ks[4], (NUM_USERS * HIDDEN, TARGET), dtype=jnp.float32) * 0.02
    lin_b = jnp.zeros((TARGET,), dtype=jnp.float32)
    # persistent activation buffer: (num_users, buffer_size, hidden_size)
    buffer = jnp.zeros((NUM_USERS, BUF, HIDDEN), dtype=jnp.float32)
    return {
        "data": data,
        "ids": ids,
        "target": target,
        "block_w": block_w,
        "block_b": block_b,
        "lin_w": lin_w,
        "lin_b": lin_b,
        "buffer": buffer,
    }


def reference(data, ids, target, block_w, block_b, lin_w, lin_b, buffer):
    # per-user feature split: user i gets columns [i*PER, (i+1)*PER)
    feats = data.reshape(B, NUM_USERS, PER).transpose(1, 0, 2)  # [U, B, PER]
    # per-user feature block: x_i = block_i(data[:, split_i])
    x = jnp.einsum('ubp,uph->ubh', feats, block_w) + block_b[:, None, :]  # [U, B, H]
    # Buffer.update: buffer[organization_id, sample_id, :] = x_i (scatter-overwrite)
    org = jnp.arange(NUM_USERS)
    buffer = buffer.at[org[:, None], ids[None, :], :].set(x)
    # Buffer.get: buffer[org_ids[:,None], sample_ids[None,:], :] (gather)
    g = buffer[org[:, None], ids[None, :], :]  # [U, B, H]
    # permute(1, 0, 2) then reshape(B, -1)
    g = g.transpose(1, 0, 2).reshape(B, NUM_USERS * HIDDEN)
    logits = g @ lin_w + lin_b  # output['target']
    return logits

if __name__ == "__main__":
    import jax
    _d = setup_inputs()
    print(jax.jit(kernel)(*tuple(_d.values())))

</pallas_src>

<mosaic_0001>
#map = affine_map<(d0, d1) -> (0, 0)>
module attributes {stable_mosaic.version = 14 : i64} {
  func.func @_sc_gather_body(%arg0: i32, %arg1: i32, %arg2: memref<4096x128xf32, #tpu.memory_space<hbm>>, %arg3: memref<32x128xi32, #tpu.memory_space<hbm>>, %arg4: memref<4096x128xf32, #tpu.memory_space<hbm>>, %arg5: memref<128xi32, #tpu.memory_space<vmem>>, %arg6: memref<128x128xf32, #tpu.memory_space<vmem>>, %arg7: memref<!tpu.dma_semaphore, #tpu.memory_space<semaphore_mem>>) attributes {dimension_semantics = [#tpu.dimension_semantics<core_parallel>, #tpu.dimension_semantics<subcore_parallel>], iteration_bounds = array<i64: 2, 16>, scalar_prefetch = 0 : i64, scratch_operands = 3 : i64, tpu.core_type = #tpu.core_type<sc_vector_subcore>, window_params = [{transform_indices = #map}, {transform_indices = #map}, {transform_indices = #map}]} {
    %mul3A = arith.constant 2 : i32
    %mul3A_0 = arith.muli %arg1, %mul3A : i32
    %add3A = arith.addi %mul3A_0, %arg0 : i32
    "tpu.region"() ({
      %run_scoped3A = tpu.sem_alloc : memref<!tpu.dma_semaphore, #tpu.memory_space<semaphore_mem>>
      %dma_start3A_7 = arith.constant 0 : i32
      %dma_start3A_8 = tpu.memref_slice %arg3[%add3A, %dma_start3A_7] : memref<32x128xi32, #tpu.memory_space<hbm>> -> memref<1x128xi32, #tpu.memory_space<hbm>>
      %dma_start3A_9 = tpu.memref_squeeze %dma_start3A_8 : memref<1x128xi32, #tpu.memory_space<hbm>> -> memref<128xi32, #tpu.memory_space<hbm>>
      %dma_start3A_10 = arith.constant 0 : i32
      %dma_start3A_11 = tpu.memref_slice %arg3[%add3A, %dma_start3A_10] : memref<32x128xi32, #tpu.memory_space<hbm>> -> memref<1x128xi32, #tpu.memory_space<hbm>>
      %dma_start3A_12 = tpu.memref_squeeze %dma_start3A_11 : memref<1x128xi32, #tpu.memory_space<hbm>> -> memref<128xi32, #tpu.memory_space<hbm>>
      tpu.enqueue_dma source(%dma_start3A_12 : memref<128xi32, #tpu.memory_space<hbm>>) target(%arg5 : memref<128xi32, #tpu.memory_space<vmem>>) target_semaphore(%run_scoped3A : memref<!tpu.dma_semaphore, #tpu.memory_space<semaphore_mem>>)
      %dma_wait3A_13 = arith.constant 0 : i32
      %dma_wait3A_14 = tpu.memref_slice %arg3[%add3A, %dma_wait3A_13] : memref<32x128xi32, #tpu.memory_space<hbm>> -> memref<1x128xi32, #tpu.memory_space<hbm>>
      %dma_wait3A_15 = tpu.memref_squeeze %dma_wait3A_14 : memref<1x128xi32, #tpu.memory_space<hbm>> -> memref<128xi32, #tpu.memory_space<hbm>>
      %dma_wait3A_16 = arith.constant 0 : i32
      %dma_wait3A_17 = tpu.memref_slice %arg3[%add3A, %dma_wait3A_16] : memref<32x128xi32, #tpu.memory_space<hbm>> -> memref<1x128xi32, #tpu.memory_space<hbm>>
      %dma_wait3A_18 = tpu.memref_squeeze %dma_wait3A_17 : memref<1x128xi32, #tpu.memory_space<hbm>> -> memref<128xi32, #tpu.memory_space<hbm>>
      tpu.wait_dma2 semaphore(%run_scoped3A : memref<!tpu.dma_semaphore, #tpu.memory_space<semaphore_mem>>) src(%dma_wait3A_18 : memref<128xi32, #tpu.memory_space<hbm>>) dst(%arg5 : memref<128xi32, #tpu.memory_space<vmem>>)
      tpu.yield
    }) : () -> ()
    %dma_start3A = arith.constant 0 : i32
    %dma_start3A_1 = arith.constant 0 : i32
    %dma_start3A_2 = tpu.memref_slice %arg2[%dma_start3A, %dma_start3A_1] : memref<4096x128xf32, #tpu.memory_space<hbm>> -> memref<4096x128xf32, #tpu.memory_space<hbm>>
    tpu.enqueue_indirect_dma source(%dma_start3A_2 : memref<4096x128xf32, #tpu.memory_space<hbm>>) target(%arg6 : memref<128x128xf32, #tpu.memory_space<vmem>>) offsets(%arg5 : memref<128xi32, #tpu.memory_space<vmem>>) semaphore(%arg7 : memref<!tpu.dma_semaphore, #tpu.memory_space<semaphore_mem>>)
    %dma_wait3A = arith.constant 0 : i32
    %dma_wait3A_3 = arith.constant 0 : i32
    %dma_wait3A_4 = tpu.memref_slice %arg2[%dma_wait3A, %dma_wait3A_3] : memref<4096x128xf32, #tpu.memory_space<hbm>> -> memref<4096x128xf32, #tpu.memory_space<hbm>>
    tpu.wait_indirect_dma semaphore(%arg7 : memref<!tpu.dma_semaphore, #tpu.memory_space<semaphore_mem>>) src(%dma_wait3A_4 : memref<4096x128xf32, #tpu.memory_space<hbm>>) dst(%arg6 : memref<128x128xf32, #tpu.memory_space<vmem>>)
    %mul3A_5 = arith.constant 128 : i32
    %mul3A_6 = arith.muli %add3A, %mul3A_5 : i32
    "tpu.region"() ({
      %run_scoped3A = tpu.sem_alloc : memref<!tpu.dma_semaphore, #tpu.memory_space<semaphore_mem>>
      %dma_start3A_7 = arith.constant 0 : i32
      %dma_start3A_8 = tpu.memref_slice %arg4[%mul3A_6, %dma_start3A_7] : memref<4096x128xf32, #tpu.memory_space<hbm>> -> memref<128x128xf32, #tpu.memory_space<hbm>>
      %dma_start3A_9 = arith.constant 0 : i32
      %dma_start3A_10 = tpu.memref_slice %arg4[%mul3A_6, %dma_start3A_9] : memref<4096x128xf32, #tpu.memory_space<hbm>> -> memref<128x128xf32, #tpu.memory_space<hbm>>
      tpu.enqueue_dma source(%arg6 : memref<128x128xf32, #tpu.memory_space<vmem>>) target(%dma_start3A_10 : memref<128x128xf32, #tpu.memory_space<hbm>>) target_semaphore(%run_scoped3A : memref<!tpu.dma_semaphore, #tpu.memory_space<semaphore_mem>>)
      %dma_wait3A_11 = arith.constant 0 : i32
      %dma_wait3A_12 = tpu.memref_slice %arg4[%mul3A_6, %dma_wait3A_11] : memref<4096x128xf32, #tpu.memory_space<hbm>> -> memref<128x128xf32, #tpu.memory_space<hbm>>
      %dma_wait3A_13 = arith.constant 0 : i32
      %dma_wait3A_14 = tpu.memref_slice %arg4[%mul3A_6, %dma_wait3A_13] : memref<4096x128xf32, #tpu.memory_space<hbm>> -> memref<128x128xf32, #tpu.memory_space<hbm>>
      tpu.wait_dma2 semaphore(%run_scoped3A : memref<!tpu.dma_semaphore, #tpu.memory_space<semaphore_mem>>) src(%arg6 : memref<128x128xf32, #tpu.memory_space<vmem>>) dst(%dma_wait3A_14 : memref<128x128xf32, #tpu.memory_space<hbm>>)
      tpu.yield
    }) : () -> ()
    return
  }
}

#map = affine_map<(d0, d1) -> (0)>
#map1 = affine_map<(d0, d1) -> (0, 0)>
module attributes {stable_mosaic.version = 14 : i64} {
  func.func @_sc_perm_body(%arg0: i32, %arg1: i32, %arg2: memref<4096xi32, #tpu.memory_space<hbm>>, %arg3: memref<32x128xi32, #tpu.memory_space<hbm>>, %arg4: memref<4096xi32, #tpu.memory_space<vmem>>, %arg5: memref<50000xi32, #tpu.memory_space<vmem>>, %arg6: memref<32x128xi32, #tpu.memory_space<vmem>>) attributes {dimension_semantics = [#tpu.dimension_semantics<core_parallel>, #tpu.dimension_semantics<subcore_parallel>], iteration_bounds = array<i64: 2, 16>, scalar_prefetch = 0 : i64, scratch_operands = 3 : i64, tpu.core_type = #tpu.core_type<sc_vector_subcore>, window_params = [{transform_indices = #map}, {transform_indices = #map1}]} {
    %eq3A = arith.constant 0 : i32
    %eq3A_0 = arith.cmpi eq, %arg0, %eq3A : i32
    %eq3A_1 = arith.constant 0 : i32
    %eq3A_2 = arith.cmpi eq, %arg1, %eq3A_1 : i32
    %and3A = arith.andi %eq3A_0, %eq3A_2 : i1
    %convert_element_type3A = arith.extui %and3A : i1 to i32
    %cond3A = arith.constant 0 : i32
    %cond3A_3 = arith.cmpi ne, %convert_element_type3A, %cond3A : i32
    scf.if %cond3A_3 {
      "tpu.region"() ({
        %run_scoped3A = tpu.sem_alloc : memref<!tpu.dma_semaphore, #tpu.memory_space<semaphore_mem>>
        tpu.enqueue_dma source(%arg2 : memref<4096xi32, #tpu.memory_space<hbm>>) target(%arg4 : memref<4096xi32, #tpu.memory_space<vmem>>) target_semaphore(%run_scoped3A : memref<!tpu.dma_semaphore, #tpu.memory_space<semaphore_mem>>)
        tpu.wait_dma2 semaphore(%run_scoped3A : memref<!tpu.dma_semaphore, #tpu.memory_space<semaphore_mem>>) src(%arg2 : memref<4096xi32, #tpu.memory_space<hbm>>) dst(%arg4 : memref<4096xi32, #tpu.memory_space<vmem>>)
        tpu.yield
      }) : () -> ()
      %scan3A = arith.constant 0 : i32
      %scan3A_4 = arith.constant 0 : i32
      %scan3A_5 = arith.constant 32 : i32
      %scan3A_6 = arith.addi %scan3A_4, %scan3A_5 : i32
      %scan3A_7 = arith.constant 1 : i32
      scf.for %scan3A_24 = %scan3A_4 to %scan3A_6 step %scan3A_7  : i32 {
        %mul3A = arith.constant 8 : i32
        %mul3A_25 = arith.muli %scan3A_24, %mul3A : i32
        %add3A = arith.constant 0 : i32
        %add3A_26 = arith.addi %mul3A_25, %add3A : i32
        %mul3A_27 = arith.constant 16 : i32
        %mul3A_28 = arith.muli %add3A_26, %mul3A_27 : i32
        %get3A = arith.index_cast %mul3A_28 : i32 to index
        %get3A_29 = tpu.vector_load %arg4[%get3A] {strides = array<i32>} : memref<4096xi32, #tpu.memory_space<vmem>>, vector<16xi32>,
        %iota3A = tpu.iota {dimensions = array<i32: 0>} : vector<16xi32>
        %add3A_30 = vector.broadcast %mul3A_28 : i32 to vector<16xi32>
        %add3A_31 = arith.addi %add3A_30, %iota3A : vector<16xi32>
        tpu.vector_store_idx %arg5[%get3A_29], %add3A_31 : memref<50000xi32, #tpu.memory_space<vmem>>[vector<16xi32>], vector<16xi32>,
        %mul3A_32 = arith.constant 8 : i32
        %mul3A_33 = arith.muli %scan3A_24, %mul3A_32 : i32
        %add3A_34 = arith.constant 1 : i32
        %add3A_35 = arith.addi %mul3A_33, %add3A_34 : i32
        %mul3A_36 = arith.constant 16 : i32
        %mul3A_37 = arith.muli %add3A_35, %mul3A_36 : i32
        %get3A_38 = arith.index_cast %mul3A_37 : i32 to index
        %get3A_39 = tpu.vector_load %arg4[%get3A_38] {strides = array<i32>} : memref<4096xi32, #tpu.memory_space<vmem>>, vector<16xi32>,
        %iota3A_40 = tpu.iota {dimensions = array<i32: 0>} : vector<16xi32>
        %add3A_41 = vector.broadcast %mul3A_37 : i32 to vector<16xi32>
        %add3A_42 = arith.addi %add3A_41, %iota3A_40 : vector<16xi32>
        tpu.vector_store_idx %arg5[%get3A_39], %add3A_42 : memref<50000xi32, #tpu.memory_space<vmem>>[vector<16xi32>], vector<16xi32>,
        %mul3A_43 = arith.constant 8 : i32
        %mul3A_44 = arith.muli %scan3A_24, %mul3A_43 : i32
        %add3A_45 = arith.constant 2 : i32
        %add3A_46 = arith.addi %mul3A_44, %add3A_45 : i32
        %mul3A_47 = arith.constant 16 : i32
        %mul3A_48 = arith.muli %add3A_46, %mul3A_47 : i32
        %get3A_49 = arith.index_cast %mul3A_48 : i32 to index
        %get3A_50 = tpu.vector_load %arg4[%get3A_49] {strides = array<i32>} : memref<4096xi32, #tpu.memory_space<vmem>>, vector<16xi32>,
        %iota3A_51 = tpu.iota {dimensions = array<i32: 0>} : vector<16xi32>
        %add3A_52 = vector.broadcast %mul3A_48 : i32 to vector<16xi32>
        %add3A_53 = arith.addi %add3A_52, %iota3A_51 : vector<16xi32>
        tpu.vector_store_idx %arg5[%get3A_50], %add3A_53 : memref<50000xi32, #tpu.memory_space<vmem>>[vector<16xi32>], vector<16xi32>,
        %mul3A_54 = arith.constant 8 : i32
        %mul3A_55 = arith.muli %scan3A_24, %mul3A_54 : i32
        %add3A_56 = arith.constant 3 : i32
        %add3A_57 = arith.addi %mul3A_55, %add3A_56 : i32
        %mul3A_58 = arith.constant 16 : i32
        %mul3A_59 = arith.muli %add3A_57, %mul3A_58 : i32
        %get3A_60 = arith.index_cast %mul3A_59 : i32 to index
        %get3A_61 = tpu.vector_load %arg4[%get3A_60] {strides = array<i32>} : memref<4096xi32, #tpu.memory_space<vmem>>, vector<16xi32>,
        %iota3A_62 = tpu.iota {dimensions = array<i32: 0>} : vector<16xi32>
        %add3A_63 = vector.broadcast %mul3A_59 : i32 to vector<16xi32>
        %add3A_64 = arith.addi %add3A_63, %iota3A_62 : vector<16xi32>
        tpu.vector_store_idx %arg5[%get3A_61], %add3A_64 : memref<50000xi32, #tpu.memory_space<vmem>>[vector<16xi32>], vector<16xi32>,
        %mul3A_65 = arith.constant 8 : i32
        %mul3A_66 = arith.muli %scan3A_24, %mul3A_65 : i32
        %add3A_67 = arith.constant 4 : i32
        %add3A_68 = arith.addi %mul3A_66, %add3A_67 : i32
        %mul3A_69 = arith.constant 16 : i32
        %mul3A_70 = arith.muli %add3A_68, %mul3A_69 : i32
        %get3A_71 = arith.index_cast %mul3A_70 : i32 to index
        %get3A_72 = tpu.vector_load %arg4[%get3A_71] {strides = array<i32>} : memref<4096xi32, #tpu.memory_space<vmem>>, vector<16xi32>,
        %iota3A_73 = tpu.iota {dimensions = array<i32: 0>} : vector<16xi32>
        %add3A_74 = vector.broadcast %mul3A_70 : i32 to vector<16xi32>
        %add3A_75 = arith.addi %add3A_74, %iota3A_73 : vector<16xi32>
        tpu.vector_store_idx %arg5[%get3A_72], %add3A_75 : memref<50000xi32, #tpu.memory_space<vmem>>[vector<16xi32>], vector<16xi32>,
        %mul3A_76 = arith.constant 8 : i32
        %mul3A_77 = arith.muli %scan3A_24, %mul3A_76 : i32
        %add3A_78 = arith.constant 5 : i32
        %add3A_79 = arith.addi %mul3A_77, %add3A_78 : i32
        %mul3A_80 = arith.constant 16 : i32
        %mul3A_81 = arith.muli %add3A_79, %mul3A_80 : i32
        %get3A_82 = arith.index_cast %mul3A_81 : i32 to index
        %get3A_83 = tpu.vector_load %arg4[%get3A_82] {strides = array<i32>} : memref<4096xi32, #tpu.memory_space<vmem>>, vector<16xi32>,
        %iota3A_84 = tpu.iota {dimensions = array<i32: 0>} : vector<16xi32>
        %add3A_85 = vector.broadcast %mul3A_81 : i32 to vector<16xi32>
        %add3A_86 = arith.addi %add3A_85, %iota3A_84 : vector<16xi32>
        tpu.vector_store_idx %arg5[%get3A_83], %add3A_86 : memref<50000xi32, #tpu.memory_space<vmem>>[vector<16xi32>], vector<16xi32>,
        %mul3A_87 = arith.constant 8 : i32
        %mul3A_88 = arith.muli %scan3A_24, %mul3A_87 : i32
        %add3A_89 = arith.constant 6 : i32
        %add3A_90 = arith.addi %mul3A_88, %add3A_89 : i32
        %mul3A_91 = arith.constant 16 : i32
        %mul3A_92 = arith.muli %add3A_90, %mul3A_91 : i32
        %get3A_93 = arith.index_cast %mul3A_92 : i32 to index
        %get3A_94 = tpu.vector_load %arg4[%get3A_93] {strides = array<i32>} : memref<4096xi32, #tpu.memory_space<vmem>>, vector<16xi32>,
        %iota3A_95 = tpu.iota {dimensions = array<i32: 0>} : vector<16xi32>
        %add3A_96 = vector.broadcast %mul3A_92 : i32 to vector<16xi32>
        %add3A_97 = arith.addi %add3A_96, %iota3A_95 : vector<16xi32>
        tpu.vector_store_idx %arg5[%get3A_94], %add3A_97 : memref<50000xi32, #tpu.memory_space<vmem>>[vector<16xi32>], vector<16xi32>,
        %mul3A_98 = arith.constant 8 : i32
        %mul3A_99 = arith.muli %scan3A_24, %mul3A_98 : i32
        %add3A_100 = arith.constant 7 : i32
        %add3A_101 = arith.addi %mul3A_99, %add3A_100 : i32
        %mul3A_102 = arith.constant 16 : i32
        %mul3A_103 = arith.muli %add3A_101, %mul3A_102 : i32
        %get3A_104 = arith.index_cast %mul3A_103 : i32 to index
        %get3A_105 = tpu.vector_load %arg4[%get3A_104] {strides = array<i32>} : memref<4096xi32, #tpu.memory_space<vmem>>, vector<16xi32>,
        %iota3A_106 = tpu.iota {dimensions = array<i32: 0>} : vector<16xi32>
        %add3A_107 = vector.broadcast %mul3A_103 : i32 to vector<16xi32>
        %add3A_108 = arith.addi %add3A_107, %iota3A_106 : vector<16xi32>
        tpu.vector_store_idx %arg5[%get3A_105], %add3A_108 : memref<50000xi32, #tpu.memory_space<vmem>>[vector<16xi32>], vector<16xi32>,
      }
      %scan3A_8 = arith.constant 32 : i32
      %broadcast_in_dim3A = arith.constant 0 : i32
      %broadcast_in_dim3A_9 = vector.broadcast %broadcast_in_dim3A : i32 to vector<16xi32>
      %scan3A_10 = arith.constant 0 : i32
      %scan3A_11 = arith.constant 32 : i32
      %scan3A_12 = arith.addi %scan3A_10, %scan3A_11 : i32
      %scan3A_13 = arith.constant 1 : i32
      %scan3A_14 = scf.for %scan3A_24 = %scan3A_10 to %scan3A_12 step %scan3A_13 iter_args(%scan3A_25 = %broadcast_in_dim3A_9) -> (vector<16xi32>)  : i32 {
        %mul3A = arith.constant 128 : i32
        %mul3A_26 = arith.muli %scan3A_24, %mul3A : i32
        %add3A = arith.constant 0 : i32
        %add3A_27 = arith.addi %mul3A_26, %add3A : i32
        %get3A = arith.index_cast %add3A_27 : i32 to index
        %get3A_28 = tpu.vector_load %arg4[%get3A] {strides = array<i32>} : memref<4096xi32, #tpu.memory_space<vmem>>, vector<16xi32>,
        %iota3A = tpu.iota {dimensions = array<i32: 0>} : vector<16xi32>
        %add3A_29 = vector.broadcast %add3A_27 : i32 to vector<16xi32>
        %add3A_30 = arith.addi %add3A_29, %iota3A : vector<16xi32>
        %gather3A = tpu.vector_load_idx %arg5[%get3A_28] : memref<50000xi32, #tpu.memory_space<vmem>>[vector<16xi32>], vector<16xi32>,
        %lt3A = arith.cmpi slt, %gather3A, %add3A_30 : vector<16xi32>
        tpu.vector_store_idx %arg5[%get3A_28], %add3A_30 masked %lt3A : memref<50000xi32, #tpu.memory_space<vmem>>[vector<16xi32>], vector<16xi32>, vector<16xi1>
        %select_n3A = arith.select %lt3A, %add3A_30, %gather3A : vector<16xi1>, vector<16xi32>
        %swap3A = arith.constant 0 : i32
        %swap3A_31 = tpu.memref_slice %arg6[%scan3A_24, %swap3A] : memref<32x128xi32, #tpu.memory_space<vmem>> -> memref<1x128xi32, #tpu.memory_space<vmem>>
        %swap3A_32 = tpu.memref_squeeze %swap3A_31 : memref<1x128xi32, #tpu.memory_space<vmem>> -> memref<128xi32, #tpu.memory_space<vmem>>
        %swap3A_33 = arith.constant 0 : index
        %swap3A_34 = tpu.vector_load %swap3A_32[%swap3A_33] {strides = array<i32>} : memref<128xi32, #tpu.memory_space<vmem>>, vector<16xi32>,
        tpu.vector_store %swap3A_32[%swap3A_33], %select_n3A {strides = array<i32>} : memref<128xi32, #tpu.memory_space<vmem>>, vector<16xi32>,
        %convert_element_type3A_35 = arith.extui %lt3A : vector<16xi1> to vector<16xi32>
        %or3A = arith.ori %scan3A_25, %convert_element_type3A_35 : vector<16xi32>
        %mul3A_36 = arith.constant 128 : i32
        %mul3A_37 = arith.muli %scan3A_24, %mul3A_36 : i32
        %add3A_38 = arith.constant 16 : i32
        %add3A_39 = arith.addi %mul3A_37, %add3A_38 : i32
        %get3A_40 = arith.index_cast %add3A_39 : i32 to index
        %get3A_41 = tpu.vector_load %arg4[%get3A_40] {strides = array<i32>} : memref<4096xi32, #tpu.memory_space<vmem>>, vector<16xi32>,
        %iota3A_42 = tpu.iota {dimensions = array<i32: 0>} : vector<16xi32>
        %add3A_43 = vector.broadcast %add3A_39 : i32 to vector<16xi32>
        %add3A_44 = arith.addi %add3A_43, %iota3A_42 : vector<16xi32>
        %gather3A_45 = tpu.vector_load_idx %arg5[%get3A_41] : memref<50000xi32, #tpu.memory_space<vmem>>[vector<16xi32>], vector<16xi32>,
        %lt3A_46 = arith.cmpi slt, %gather3A_45, %add3A_44 : vector<16xi32>
        tpu.vector_store_idx %arg5[%get3A_41], %add3A_44 masked %lt3A_46 : memref<50000xi32, #tpu.memory_space<vmem>>[vector<16xi32>], vector<16xi32>, vector<16xi1>
        %select_n3A_47 = arith.select %lt3A_46, %add3A_44, %gather3A_45 : vector<16xi1>, vector<16xi32>
        %swap3A_48 = arith.constant 0 : i32
        %swap3A_49 = tpu.memref_slice %arg6[%scan3A_24, %swap3A_48] : memref<32x128xi32, #tpu.memory_space<vmem>> -> memref<1x128xi32, #tpu.memory_space<vmem>>
        %swap3A_50 = tpu.memref_squeeze %swap3A_49 : memref<1x128xi32, #tpu.memory_space<vmem>> -> memref<128xi32, #tpu.memory_space<vmem>>
        %swap3A_51 = arith.constant 16 : index
        %swap3A_52 = tpu.vector_load %swap3A_50[%swap3A_51] {strides = array<i32>} : memref<128xi32, #tpu.memory_space<vmem>>, vector<16xi32>,
        tpu.vector_store %swap3A_50[%swap3A_51], %select_n3A_47 {strides = array<i32>} : memref<128xi32, #tpu.memory_space<vmem>>, vector<16xi32>,
        %convert_element_type3A_53 = arith.extui %lt3A_46 : vector<16xi1> to vector<16xi32>
        %or3A_54 = arith.ori %or3A, %convert_element_type3A_53 : vector<16xi32>
        %mul3A_55 = arith.constant 128 : i32
        %mul3A_56 = arith.muli %scan3A_24, %mul3A_55 : i32
        %add3A_57 = arith.constant 32 : i32
        %add3A_58 = arith.addi %mul3A_56, %add3A_57 : i32
        %get3A_59 = arith.index_cast %add3A_58 : i32 to index
        %get3A_60 = tpu.vector_load %arg4[%get3A_59] {strides = array<i32>} : memref<4096xi32, #tpu.memory_space<vmem>>, vector<16xi32>,
        %iota3A_61 = tpu.iota {dimensions = array<i32: 0>} : vector<16xi32>
        %add3A_62 = vector.broadcast %add3A_58 : i32 to vector<16xi32>
        %add3A_63 = arith.addi %add3A_62, %iota3A_61 : vector<16xi32>
        %gather3A_64 = tpu.vector_load_idx %arg5[%get3A_60] : memref<50000xi32, #tpu.memory_space<vmem>>[vector<16xi32>], vector<16xi32>,
        %lt3A_65 = arith.cmpi slt, %gather3A_64, %add3A_63 : vector<16xi32>
        tpu.vector_store_idx %arg5[%get3A_60], %add3A_63 masked %lt3A_65 : memref<50000xi32, #tpu.memory_space<vmem>>[vector<16xi32>], vector<16xi32>, vector<16xi1>
        %select_n3A_66 = arith.select %lt3A_65, %add3A_63, %gather3A_64 : vector<16xi1>, vector<16xi32>
        %swap3A_67 = arith.constant 0 : i32
        %swap3A_68 = tpu.memref_slice %arg6[%scan3A_24, %swap3A_67] : memref<32x128xi32, #tpu.memory_space<vmem>> -> memref<1x128xi32, #tpu.memory_space<vmem>>
        %swap3A_69 = tpu.memref_squeeze %swap3A_68 : memref<1x128xi32, #tpu.memory_space<vmem>> -> memref<128xi32, #tpu.memory_space<vmem>>
        %swap3A_70 = arith.constant 32 : index
        %swap3A_71 = tpu.vector_load %swap3A_69[%swap3A_70] {strides = array<i32>} : memref<128xi32, #tpu.memory_space<vmem>>, vector<16xi32>,
        tpu.vector_store %swap3A_69[%swap3A_70], %select_n3A_66 {strides = array<i32>} : memref<128xi32, #tpu.memory_space<vmem>>, vector<16xi32>,
        %convert_element_type3A_72 = arith.extui %lt3A_65 : vector<16xi1> to vector<16xi32>
        %or3A_73 = arith.ori %or3A_54, %convert_element_type3A_72 : vector<16xi32>
        %mul3A_74 = arith.constant 128 : i32
        %mul3A_75 = arith.muli %scan3A_24, %mul3A_74 : i32
        %add3A_76 = arith.constant 48 : i32
        %add3A_77 = arith.addi %mul3A_75, %add3A_76 : i32
        %get3A_78 = arith.index_cast %add3A_77 : i32 to index
        %get3A_79 = tpu.vector_load %arg4[%get3A_78] {strides = array<i32>} : memref<4096xi32, #tpu.memory_space<vmem>>, vector<16xi32>,
        %iota3A_80 = tpu.iota {dimensions = array<i32: 0>} : vector<16xi32>
        %add3A_81 = vector.broadcast %add3A_77 : i32 to vector<16xi32>
        %add3A_82 = arith.addi %add3A_81, %iota3A_80 : vector<16xi32>
        %gather3A_83 = tpu.vector_load_idx %arg5[%get3A_79] : memref<50000xi32, #tpu.memory_space<vmem>>[vector<16xi32>], vector<16xi32>,
        %lt3A_84 = arith.cmpi slt, %gather3A_83, %add3A_82 : vector<16xi32>
        tpu.vector_store_idx %arg5[%get3A_79], %add3A_82 masked %lt3A_84 : memref<50000xi32, #tpu.memory_space<vmem>>[vector<16xi32>], vector<16xi32>, vector<16xi1>
        %select_n3A_85 = arith.select %lt3A_84, %add3A_82, %gather3A_83 : vector<16xi1>, vector<16xi32>
        %swap3A_86 = arith.constant 0 : i32
        %swap3A_87 = tpu.memref_slice %arg6[%scan3A_24, %swap3A_86] : memref<32x128xi32, #tpu.memory_space<vmem>> -> memref<1x128xi32, #tpu.memory_space<vmem>>
        %swap3A_88 = tpu.memref_squeeze %swap3A_87 : memref<1x128xi32, #tpu.memory_space<vmem>> -> memref<128xi32, #tpu.memory_space<vmem>>
        %swap3A_89 = arith.constant 48 : index
        %swap3A_90 = tpu.vector_load %swap3A_88[%swap3A_89] {strides = array<i32>} : memref<128xi32, #tpu.memory_space<vmem>>, vector<16xi32>,
        tpu.vector_store %swap3A_88[%swap3A_89], %select_n3A_85 {strides = array<i32>} : memref<128xi32, #tpu.memory_space<vmem>>, vector<16xi32>,
        %convert_element_type3A_91 = arith.extui %lt3A_84 : vector<16xi1> to vector<16xi32>
        %or3A_92 = arith.ori %or3A_73, %convert_element_type3A_91 : vector<16xi32>
        %mul3A_93 = arith.constant 128 : i32
        %mul3A_94 = arith.muli %scan3A_24, %mul3A_93 : i32
        %add3A_95 = arith.constant 64 : i32
        %add3A_96 = arith.addi %mul3A_94, %add3A_95 : i32
        %get3A_97 = arith.index_cast %add3A_96 : i32 to index
        %get3A_98 = tpu.vector_load %arg4[%get3A_97] {strides = array<i32>} : memref<4096xi32, #tpu.memory_space<vmem>>, vector<16xi32>,
        %iota3A_99 = tpu.iota {dimensions = array<i32: 0>} : vector<16xi32>
        %add3A_100 = vector.broadcast %add3A_96 : i32 to vector<16xi32>
        %add3A_101 = arith.addi %add3A_100, %iota3A_99 : vector<16xi32>
        %gather3A_102 = tpu.vector_load_idx %arg5[%get3A_98] : memref<50000xi32, #tpu.memory_space<vmem>>[vector<16xi32>], vector<16xi32>,
        %lt3A_103 = arith.cmpi slt, %gather3A_102, %add3A_101 : vector<16xi32>
        tpu.vector_store_idx %arg5[%get3A_98], %add3A_101 masked %lt3A_103 : memref<50000xi32, #tpu.memory_space<vmem>>[vector<16xi32>], vector<16xi32>, vector<16xi1>
        %select_n3A_104 = arith.select %lt3A_103, %add3A_101, %gather3A_102 : vector<16xi1>, vector<16xi32>
        %swap3A_105 = arith.constant 0 : i32
        %swap3A_106 = tpu.memref_slice %arg6[%scan3A_24, %swap3A_105] : memref<32x128xi32, #tpu.memory_space<vmem>> -> memref<1x128xi32, #tpu.memory_space<vmem>>
        %swap3A_107 = tpu.memref_squeeze %swap3A_106 : memref<1x128xi32, #tpu.memory_space<vmem>> -> memref<128xi32, #tpu.memory_space<vmem>>
        %swap3A_108 = arith.constant 64 : index
        %swap3A_109 = tpu.vector_load %swap3A_107[%swap3A_108] {strides = array<i32>} : memref<128xi32, #tpu.memory_space<vmem>>, vector<16xi32>,
        tpu.vector_store %swap3A_107[%swap3A_108], %select_n3A_104 {strides = array<i32>} : memref<128xi32, #tpu.memory_space<vmem>>, vector<16xi32>,
        %convert_element_type3A_110 = arith.extui %lt3A_103 : vector<16xi1> to vector<16xi32>
        %or3A_111 = arith.ori %or3A_92, %convert_element_type3A_110 : vector<16xi32>
        %mul3A_112 = arith.constant 128 : i32
        %mul3A_113 = arith.muli %scan3A_24, %mul3A_112 : i32
        %add3A_114 = arith.constant 80 : i32
        %add3A_115 = arith.addi %mul3A_113, %add3A_114 : i32
        %get3A_116 = arith.index_cast %add3A_115 : i32 to index
        %get3A_117 = tpu.vector_load %arg4[%get3A_116] {strides = array<i32>} : memref<4096xi32, #tpu.memory_space<vmem>>, vector<16xi32>,
        %iota3A_118 = tpu.iota {dimensions = array<i32: 0>} : vector<16xi32>
        %add3A_119 = vector.broadcast %add3A_115 : i32 to vector<16xi32>
        %add3A_120 = arith.addi %add3A_119, %iota3A_118 : vector<16xi32>
        %gather3A_121 = tpu.vector_load_idx %arg5[%get3A_117] : memref<50000xi32, #tpu.memory_space<vmem>>[vector<16xi32>], vector<16xi32>,
        %lt3A_122 = arith.cmpi slt, %gather3A_121, %add3A_120 : vector<16xi32>
        tpu.vector_store_idx %arg5[%get3A_117], %add3A_120 masked %lt3A_122 : memref<50000xi32, #tpu.memory_space<vmem>>[vector<16xi32>], vector<16xi32>, vector<16xi1>
        %select_n3A_123 = arith.select %lt3A_122, %add3A_120, %gather3A_121 : vector<16xi1>, vector<16xi32>
        %swap3A_124 = arith.constant 0 : i32
        %swap3A_125 = tpu.memref_slice %arg6[%scan3A_24, %swap3A_124] : memref<32x128xi32, #tpu.memory_space<vmem>> -> memref<1x128xi32, #tpu.memory_space<vmem>>
        %swap3A_126 = tpu.memref_squeeze %swap3A_125 : memref<1x128xi32, #tpu.memory_space<vmem>> -> memref<128xi32, #tpu.memory_space<vmem>>
        %swap3A_127 = arith.constant 80 : index
        %swap3A_128 = tpu.vector_load %swap3A_126[%swap3A_127] {strides = array<i32>} : memref<128xi32, #tpu.memory_space<vmem>>, vector<16xi32>,
        tpu.vector_store %swap3A_126[%swap3A_127], %select_n3A_123 {strides = array<i32>} : memref<128xi32, #tpu.memory_space<vmem>>, vector<16xi32>,
        %convert_element_type3A_129 = arith.extui %lt3A_122 : vector<16xi1> to vector<16xi32>
        %or3A_130 = arith.ori %or3A_111, %convert_element_type3A_129 : vector<16xi32>
        %mul3A_131 = arith.constant 128 : i32
        %mul3A_132 = arith.muli %scan3A_24, %mul3A_131 : i32
        %add3A_133 = arith.constant 96 : i32
        %add3A_134 = arith.addi %mul3A_132, %add3A_133 : i32
        %get3A_135 = arith.index_cast %add3A_134 : i32 to index
        %get3A_136 = tpu.vector_load %arg4[%get3A_135] {strides = array<i32>} : memref<4096xi32, #tpu.memory_space<vmem>>, vector<16xi32>,
        %iota3A_137 = tpu.iota {dimensions = array<i32: 0>} : vector<16xi32>
        %add3A_138 = vector.broadcast %add3A_134 : i32 to vector<16xi32>
        %add3A_139 = arith.addi %add3A_138, %iota3A_137 : vector<16xi32>
        %gather3A_140 = tpu.vector_load_idx %arg5[%get3A_136] : memref<50000xi32, #tpu.memory_space<vmem>>[vector<16xi32>], vector<16xi32>,
        %lt3A_141 = arith.cmpi slt, %gather3A_140, %add3A_139 : vector<16xi32>
        tpu.vector_store_idx %arg5[%get3A_136], %add3A_139 masked %lt3A_141 : memref<50000xi32, #tpu.memory_space<vmem>>[vector<16xi32>], vector<16xi32>, vector<16xi1>
        %select_n3A_142 = arith.select %lt3A_141, %add3A_139, %gather3A_140 : vector<16xi1>, vector<16xi32>
        %swap3A_143 = arith.constant 0 : i32
        %swap3A_144 = tpu.memref_slice %arg6[%scan3A_24, %swap3A_143] : memref<32x128xi32, #tpu.memory_space<vmem>> -> memref<1x128xi32, #tpu.memory_space<vmem>>
        %swap3A_145 = tpu.memref_squeeze %swap3A_144 : memref<1x128xi32, #tpu.memory_space<vmem>> -> memref<128xi32, #tpu.memory_space<vmem>>
        %swap3A_146 = arith.constant 96 : index
        %swap3A_147 = tpu.vector_load %swap3A_145[%swap3A_146] {strides = array<i32>} : memref<128xi32, #tpu.memory_space<vmem>>, vector<16xi32>,
        tpu.vector_store %swap3A_145[%swap3A_146], %select_n3A_142 {strides = array<i32>} : memref<128xi32, #tpu.memory_space<vmem>>, vector<16xi32>,
        %convert_element_type3A_148 = arith.extui %lt3A_141 : vector<16xi1> to vector<16xi32>
        %or3A_149 = arith.ori %or3A_130, %convert_element_type3A_148 : vector<16xi32>
        %mul3A_150 = arith.constant 128 : i32
        %mul3A_151 = arith.muli %scan3A_24, %mul3A_150 : i32
        %add3A_152 = arith.constant 112 : i32
        %add3A_153 = arith.addi %mul3A_151, %add3A_152 : i32
        %get3A_154 = arith.index_cast %add3A_153 : i32 to index
        %get3A_155 = tpu.vector_load %arg4[%get3A_154] {strides = array<i32>} : memref<4096xi32, #tpu.memory_space<vmem>>, vector<16xi32>,
        %iota3A_156 = tpu.iota {dimensions = array<i32: 0>} : vector<16xi32>
        %add3A_157 = vector.broadcast %add3A_153 : i32 to vector<16xi32>
        %add3A_158 = arith.addi %add3A_157, %iota3A_156 : vector<16xi32>
        %gather3A_159 = tpu.vector_load_idx %arg5[%get3A_155] : memref<50000xi32, #tpu.memory_space<vmem>>[vector<16xi32>], vector<16xi32>,
        %lt3A_160 = arith.cmpi slt, %gather3A_159, %add3A_158 : vector<16xi32>
        tpu.vector_store_idx %arg5[%get3A_155], %add3A_158 masked %lt3A_160 : memref<50000xi32, #tpu.memory_space<vmem>>[vector<16xi32>], vector<16xi32>, vector<16xi1>
        %select_n3A_161 = arith.select %lt3A_160, %add3A_158, %gather3A_159 : vector<16xi1>, vector<16xi32>
        %swap3A_162 = arith.constant 0 : i32
        %swap3A_163 = tpu.memref_slice %arg6[%scan3A_24, %swap3A_162] : memref<32x128xi32, #tpu.memory_space<vmem>> -> memref<1x128xi32, #tpu.memory_space<vmem>>
        %swap3A_164 = tpu.memref_squeeze %swap3A_163 : memref<1x128xi32, #tpu.memory_space<vmem>> -> memref<128xi32, #tpu.memory_space<vmem>>
        %swap3A_165 = arith.constant 112 : index
        %swap3A_166 = tpu.vector_load %swap3A_164[%swap3A_165] {strides = array<i32>} : memref<128xi32, #tpu.memory_space<vmem>>, vector<16xi32>,
        tpu.vector_store %swap3A_164[%swap3A_165], %select_n3A_161 {strides = array<i32>} : memref<128xi32, #tpu.memory_space<vmem>>, vector<16xi32>,
        %convert_element_type3A_167 = arith.extui %lt3A_160 : vector<16xi1> to vector<16xi32>
        %or3A_168 = arith.ori %or3A_149, %convert_element_type3A_167 : vector<16xi32>
        scf.yield %or3A_168 : vector<16xi32>
      }
      %scan3A_15 = arith.constant 32 : i32
      %reduce_max3A = arith.constant true
      %reduce_max3A_16 = vector.broadcast %reduce_max3A : i1 to vector<16xi1>
      %reduce_max3A_17 = arith.constant -2147483648 : i32
      %reduce_max3A_18 = vector.broadcast %reduce_max3A_17 : i32 to vector<16xi32>
      %reduce_max3A_19 = arith.xori %scan3A_14, %reduce_max3A_18 : vector<16xi32>
      %reduce_max3A_20 = tpu.scan <max>, %reduce_max3A_19 masked %reduce_max3A_16 : vector<16xi32>, vector<16xi1> -> vector<16xi32>
      %reduce_max3A_21 = arith.xori %reduce_max3A_20, %reduce_max3A_18 : vector<16xi32>
      %reduce_max3A_22 = vector.extract %reduce_max3A_21[15] : i32 from vector<16xi32>
      %gt3A = arith.constant 0 : i32
      %gt3A_23 = arith.cmpi sgt, %reduce_max3A_22, %gt3A : i32
      %while3A = scf.while (%while3A_24 = %gt3A_23) : (i1) -> i1 {
        scf.condition(%while3A_24) %while3A_24 : i1
      } do {
      ^bb0(%while3A_24: i1):
        %broadcast_in_dim3A_25 = arith.constant 0 : i32
        %broadcast_in_dim3A_26 = vector.broadcast %broadcast_in_dim3A_25 : i32 to vector<16xi32>
        %scan3A_27 = arith.constant 0 : i32
        %scan3A_28 = arith.constant 32 : i32
        %scan3A_29 = arith.addi %scan3A_27, %scan3A_28 : i32
        %scan3A_30 = arith.constant 1 : i32
        %scan3A_31 = scf.for %scan3A_43 = %scan3A_27 to %scan3A_29 step %scan3A_30 iter_args(%scan3A_44 = %broadcast_in_dim3A_26) -> (vector<16xi32>)  : i32 {
          %mul3A = arith.constant 128 : i32
          %mul3A_45 = arith.muli %scan3A_43, %mul3A : i32
          %add3A = arith.constant 0 : i32
          %add3A_46 = arith.addi %mul3A_45, %add3A : i32
          %get3A = arith.index_cast %add3A_46 : i32 to index
          %get3A_47 = tpu.vector_load %arg4[%get3A] {strides = array<i32>} : memref<4096xi32, #tpu.memory_space<vmem>>, vector<16xi32>,
          %iota3A = tpu.iota {dimensions = array<i32: 0>} : vector<16xi32>
          %add3A_48 = vector.broadcast %add3A_46 : i32 to vector<16xi32>
          %add3A_49 = arith.addi %add3A_48, %iota3A : vector<16xi32>
          %gather3A = tpu.vector_load_idx %arg5[%get3A_47] : memref<50000xi32, #tpu.memory_space<vmem>>[vector<16xi32>], vector<16xi32>,
          %lt3A = arith.cmpi slt, %gather3A, %add3A_49 : vector<16xi32>
          tpu.vector_store_idx %arg5[%get3A_47], %add3A_49 masked %lt3A : memref<50000xi32, #tpu.memory_space<vmem>>[vector<16xi32>], vector<16xi32>, vector<16xi1>
          %select_n3A = arith.select %lt3A, %add3A_49, %gather3A : vector<16xi1>, vector<16xi32>
          %swap3A = arith.constant 0 : i32
          %swap3A_50 = tpu.memref_slice %arg6[%scan3A_43, %swap3A] : memref<32x128xi32, #tpu.memory_space<vmem>> -> memref<1x128xi32, #tpu.memory_space<vmem>>
          %swap3A_51 = tpu.memref_squeeze %swap3A_50 : memref<1x128xi32, #tpu.memory_space<vmem>> -> memref<128xi32, #tpu.memory_space<vmem>>
          %swap3A_52 = arith.constant 0 : index
          %swap3A_53 = tpu.vector_load %swap3A_51[%swap3A_52] {strides = array<i32>} : memref<128xi32, #tpu.memory_space<vmem>>, vector<16xi32>,
          tpu.vector_store %swap3A_51[%swap3A_52], %select_n3A {strides = array<i32>} : memref<128xi32, #tpu.memory_space<vmem>>, vector<16xi32>,
          %convert_element_type3A_54 = arith.extui %lt3A : vector<16xi1> to vector<16xi32>
          %or3A = arith.ori %scan3A_44, %convert_element_type3A_54 : vector<16xi32>
          %mul3A_55 = arith.constant 128 : i32
          %mul3A_56 = arith.muli %scan3A_43, %mul3A_55 : i32
          %add3A_57 = arith.constant 16 : i32
          %add3A_58 = arith.addi %mul3A_56, %add3A_57 : i32
          %get3A_59 = arith.index_cast %add3A_58 : i32 to index
          %get3A_60 = tpu.vector_load %arg4[%get3A_59] {strides = array<i32>} : memref<4096xi32, #tpu.memory_space<vmem>>, vector<16xi32>,
          %iota3A_61 = tpu.iota {dimensions = array<i32: 0>} : vector<16xi32>
          %add3A_62 = vector.broadcast %add3A_58 : i32 to vector<16xi32>
          %add3A_63 = arith.addi %add3A_62, %iota3A_61 : vector<16xi32>
          %gather3A_64 = tpu.vector_load_idx %arg5[%get3A_60] : memref<50000xi32, #tpu.memory_space<vmem>>[vector<16xi32>], vector<16xi32>,
          %lt3A_65 = arith.cmpi slt, %gather3A_64, %add3A_63 : vector<16xi32>
          tpu.vector_store_idx %arg5[%get3A_60], %add3A_63 masked %lt3A_65 : memref<50000xi32, #tpu.memory_space<vmem>>[vector<16xi32>], vector<16xi32>, vector<16xi1>
          %select_n3A_66 = arith.select %lt3A_65, %add3A_63, %gather3A_64 : vector<16xi1>, vector<16xi32>
          %swap3A_67 = arith.constant 0 : i32
          %swap3A_68 = tpu.memref_slice %arg6[%scan3A_43, %swap3A_67] : memref<32x128xi32, #tpu.memory_space<vmem>> -> memref<1x128xi32, #tpu.memory_space<vmem>>
          %swap3A_69 = tpu.memref_squeeze %swap3A_68 : memref<1x128xi32, #tpu.memory_space<vmem>> -> memref<128xi32, #tpu.memory_space<vmem>>
          %swap3A_70 = arith.constant 16 : index
          %swap3A_71 = tpu.vector_load %swap3A_69[%swap3A_70] {strides = array<i32>} : memref<128xi32, #tpu.memory_space<vmem>>, vector<16xi32>,
          tpu.vector_store %swap3A_69[%swap3A_70], %select_n3A_66 {strides = array<i32>} : memref<128xi32, #tpu.memory_space<vmem>>, vector<16xi32>,
          %convert_element_type3A_72 = arith.extui %lt3A_65 : vector<16xi1> to vector<16xi32>
          %or3A_73 = arith.ori %or3A, %convert_element_type3A_72 : vector<16xi32>
          %mul3A_74 = arith.constant 128 : i32
          %mul3A_75 = arith.muli %scan3A_43, %mul3A_74 : i32
          %add3A_76 = arith.constant 32 : i32
          %add3A_77 = arith.addi %mul3A_75, %add3A_76 : i32
          %get3A_78 = arith.index_cast %add3A_77 : i32 to index
          %get3A_79 = tpu.vector_load %arg4[%get3A_78] {strides = array<i32>} : memref<4096xi32, #tpu.memory_space<vmem>>, vector<16xi32>,
          %iota3A_80 = tpu.iota {dimensions = array<i32: 0>} : vector<16xi32>
          %add3A_81 = vector.broadcast %add3A_77 : i32 to vector<16xi32>
          %add3A_82 = arith.addi %add3A_81, %iota3A_80 : vector<16xi32>
          %gather3A_83 = tpu.vector_load_idx %arg5[%get3A_79] : memref<50000xi32, #tpu.memory_space<vmem>>[vector<16xi32>], vector<16xi32>,
          %lt3A_84 = arith.cmpi slt, %gather3A_83, %add3A_82 : vector<16xi32>
          tpu.vector_store_idx %arg5[%get3A_79], %add3A_82 masked %lt3A_84 : memref<50000xi32, #tpu.memory_space<vmem>>[vector<16xi32>], vector<16xi32>, vector<16xi1>
          %select_n3A_85 = arith.select %lt3A_84, %add3A_82, %gather3A_83 : vector<16xi1>, vector<16xi32>
          %swap3A_86 = arith.constant 0 : i32
          %swap3A_87 = tpu.memref_slice %arg6[%scan3A_43, %swap3A_86] : memref<32x128xi32, #tpu.memory_space<vmem>> -> memref<1x128xi32, #tpu.memory_space<vmem>>
          %swap3A_88 = tpu.memref_squeeze %swap3A_87 : memref<1x128xi32, #tpu.memory_space<vmem>> -> memref<128xi32, #tpu.memory_space<vmem>>
          %swap3A_89 = arith.constant 32 : index
          %swap3A_90 = tpu.vector_load %swap3A_88[%swap3A_89] {strides = array<i32>} : memref<128xi32, #tpu.memory_space<vmem>>, vector<16xi32>,
          tpu.vector_store %swap3A_88[%swap3A_89], %select_n3A_85 {strides = array<i32>} : memref<128xi32, #tpu.memory_space<vmem>>, vector<16xi32>,
          %convert_element_type3A_91 = arith.extui %lt3A_84 : vector<16xi1> to vector<16xi32>
          %or3A_92 = arith.ori %or3A_73, %convert_element_type3A_91 : vector<16xi32>
          %mul3A_93 = arith.constant 128 : i32
          %mul3A_94 = arith.muli %scan3A_43, %mul3A_93 : i32
          %add3A_95 = arith.constant 48 : i32
          %add3A_96 = arith.addi %mul3A_94, %add3A_95 : i32
          %get3A_97 = arith.index_cast %add3A_96 : i32 to index
          %get3A_98 = tpu.vector_load %arg4[%get3A_97] {strides = array<i32>} : memref<4096xi32, #tpu.memory_space<vmem>>, vector<16xi32>,
          %iota3A_99 = tpu.iota {dimensions = array<i32: 0>} : vector<16xi32>
          %add3A_100 = vector.broadcast %add3A_96 : i32 to vector<16xi32>
          %add3A_101 = arith.addi %add3A_100, %iota3A_99 : vector<16xi32>
          %gather3A_102 = tpu.vector_load_idx %arg5[%get3A_98] : memref<50000xi32, #tpu.memory_space<vmem>>[vector<16xi32>], vector<16xi32>,
          %lt3A_103 = arith.cmpi slt, %gather3A_102, %add3A_101 : vector<16xi32>
          tpu.vector_store_idx %arg5[%get3A_98], %add3A_101 masked %lt3A_103 : memref<50000xi32, #tpu.memory_space<vmem>>[vector<16xi32>], vector<16xi32>, vector<16xi1>
          %select_n3A_104 = arith.select %lt3A_103, %add3A_101, %gather3A_102 : vector<16xi1>, vector<16xi32>
          %swap3A_105 = arith.constant 0 : i32
          %swap3A_106 = tpu.memref_slice %arg6[%scan3A_43, %swap3A_105] : memref<32x128xi32, #tpu.memory_space<vmem>> -> memref<1x128xi32, #tpu.memory_space<vmem>>
          %swap3A_107 = tpu.memref_squeeze %swap3A_106 : memref<1x128xi32, #tpu.memory_space<vmem>> -> memref<128xi32, #tpu.memory_space<vmem>>
          %swap3A_108 = arith.constant 48 : index
          %swap3A_109 = tpu.vector_load %swap3A_107[%swap3A_108] {strides = array<i32>} : memref<128xi32, #tpu.memory_space<vmem>>, vector<16xi32>,
          tpu.vector_store %swap3A_107[%swap3A_108], %select_n3A_104 {strides = array<i32>} : memref<128xi32, #tpu.memory_space<vmem>>, vector<16xi32>,
          %convert_element_type3A_110 = arith.extui %lt3A_103 : vector<16xi1> to vector<16xi32>
          %or3A_111 = arith.ori %or3A_92, %convert_element_type3A_110 : vector<16xi32>
          %mul3A_112 = arith.constant 128 : i32
          %mul3A_113 = arith.muli %scan3A_43, %mul3A_112 : i32
          %add3A_114 = arith.constant 64 : i32
          %add3A_115 = arith.addi %mul3A_113, %add3A_114 : i32
          %get3A_116 = arith.index_cast %add3A_115 : i32 to index
          %get3A_117 = tpu.vector_load %arg4[%get3A_116] {strides = array<i32>} : memref<4096xi32, #tpu.memory_space<vmem>>, vector<16xi32>,
          %iota3A_118 = tpu.iota {dimensions = array<i32: 0>} : vector<16xi32>
          %add3A_119 = vector.broadcast %add3A_115 : i32 to vector<16xi32>
          %add3A_120 = arith.addi %add3A_119, %iota3A_118 : vector<16xi32>
          %gather3A_121 = tpu.vector_load_idx %arg5[%get3A_117] : memref<50000xi32, #tpu.memory_space<vmem>>[vector<16xi32>], vector<16xi32>,
          %lt3A_122 = arith.cmpi slt, %gather3A_121, %add3A_120 : vector<16xi32>
          tpu.vector_store_idx %arg5[%get3A_117], %add3A_120 masked %lt3A_122 : memref<50000xi32, #tpu.memory_space<vmem>>[vector<16xi32>], vector<16xi32>, vector<16xi1>
          %select_n3A_123 = arith.select %lt3A_122, %add3A_120, %gather3A_121 : vector<16xi1>, vector<16xi32>
          %swap3A_124 = arith.constant 0 : i32
          %swap3A_125 = tpu.memref_slice %arg6[%scan3A_43, %swap3A_124] : memref<32x128xi32, #tpu.memory_space<vmem>> -> memref<1x128xi32, #tpu.memory_space<vmem>>
          %swap3A_126 = tpu.memref_squeeze %swap3A_125 : memref<1x128xi32, #tpu.memory_space<vmem>> -> memref<128xi32, #tpu.memory_space<vmem>>
          %swap3A_127 = arith.constant 64 : index
          %swap3A_128 = tpu.vector_load %swap3A_126[%swap3A_127] {strides = array<i32>} : memref<128xi32, #tpu.memory_space<vmem>>, vector<16xi32>,
          tpu.vector_store %swap3A_126[%swap3A_127], %select_n3A_123 {strides = array<i32>} : memref<128xi32, #tpu.memory_space<vmem>>, vector<16xi32>,
          %convert_element_type3A_129 = arith.extui %lt3A_122 : vector<16xi1> to vector<16xi32>
          %or3A_130 = arith.ori %or3A_111, %convert_element_type3A_129 : vector<16xi32>
          %mul3A_131 = arith.constant 128 : i32
          %mul3A_132 = arith.muli %scan3A_43, %mul3A_131 : i32
          %add3A_133 = arith.constant 80 : i32
          %add3A_134 = arith.addi %mul3A_132, %add3A_133 : i32
          %get3A_135 = arith.index_cast %add3A_134 : i32 to index
          %get3A_136 = tpu.vector_load %arg4[%get3A_135] {strides = array<i32>} : memref<4096xi32, #tpu.memory_space<vmem>>, vector<16xi32>,
          %iota3A_137 = tpu.iota {dimensions = array<i32: 0>} : vector<16xi32>
          %add3A_138 = vector.broadcast %add3A_134 : i32 to vector<16xi32>
          %add3A_139 = arith.addi %add3A_138, %iota3A_137 : vector<16xi32>
          %gather3A_140 = tpu.vector_load_idx %arg5[%get3A_136] : memref<50000xi32, #tpu.memory_space<vmem>>[vector<16xi32>], vector<16xi32>,
          %lt3A_141 = arith.cmpi slt, %gather3A_140, %add3A_139 : vector<16xi32>
          tpu.vector_store_idx %arg5[%get3A_136], %add3A_139 masked %lt3A_141 : memref<50000xi32, #tpu.memory_space<vmem>>[vector<16xi32>], vector<16xi32>, vector<16xi1>
          %select_n3A_142 = arith.select %lt3A_141, %add3A_139, %gather3A_140 : vector<16xi1>, vector<16xi32>
          %swap3A_143 = arith.constant 0 : i32
          %swap3A_144 = tpu.memref_slice %arg6[%scan3A_43, %swap3A_143] : memref<32x128xi32, #tpu.memory_space<vmem>> -> memref<1x128xi32, #tpu.memory_space<vmem>>
          %swap3A_145 = tpu.memref_squeeze %swap3A_144 : memref<1x128xi32, #tpu.memory_space<vmem>> -> memref<128xi32, #tpu.memory_space<vmem>>
          %swap3A_146 = arith.constant 80 : index
          %swap3A_147 = tpu.vector_load %swap3A_145[%swap3A_146] {strides = array<i32>} : memref<128xi32, #tpu.memory_space<vmem>>, vector<16xi32>,
          tpu.vector_store %swap3A_145[%swap3A_146], %select_n3A_142 {strides = array<i32>} : memref<128xi32, #tpu.memory_space<vmem>>, vector<16xi32>,
          %convert_element_type3A_148 = arith.extui %lt3A_141 : vector<16xi1> to vector<16xi32>
          %or3A_149 = arith.ori %or3A_130, %convert_element_type3A_148 : vector<16xi32>
          %mul3A_150 = arith.constant 128 : i32
          %mul3A_151 = arith.muli %scan3A_43, %mul3A_150 : i32
          %add3A_152 = arith.constant 96 : i32
          %add3A_153 = arith.addi %mul3A_151, %add3A_152 : i32
          %get3A_154 = arith.index_cast %add3A_153 : i32 to index
          %get3A_155 = tpu.vector_load %arg4[%get3A_154] {strides = array<i32>} : memref<4096xi32, #tpu.memory_space<vmem>>, vector<16xi32>,
          %iota3A_156 = tpu.iota {dimensions = array<i32: 0>} : vector<16xi32>
          %add3A_157 = vector.broadcast %add3A_153 : i32 to vector<16xi32>
          %add3A_158 = arith.addi %add3A_157, %iota3A_156 : vector<16xi32>
          %gather3A_159 = tpu.vector_load_idx %arg5[%get3A_155] : memref<50000xi32, #tpu.memory_space<vmem>>[vector<16xi32>], vector<16xi32>,
          %lt3A_160 = arith.cmpi slt, %gather3A_159, %add3A_158 : vector<16xi32>
          tpu.vector_store_idx %arg5[%get3A_155], %add3A_158 masked %lt3A_160 : memref<50000xi32, #tpu.memory_space<vmem>>[vector<16xi32>], vector<16xi32>, vector<16xi1>
          %select_n3A_161 = arith.select %lt3A_160, %add3A_158, %gather3A_159 : vector<16xi1>, vector<16xi32>
          %swap3A_162 = arith.constant 0 : i32
          %swap3A_163 = tpu.memref_slice %arg6[%scan3A_43, %swap3A_162] : memref<32x128xi32, #tpu.memory_space<vmem>> -> memref<1x128xi32, #tpu.memory_space<vmem>>
          %swap3A_164 = tpu.memref_squeeze %swap3A_163 : memref<1x128xi32, #tpu.memory_space<vmem>> -> memref<128xi32, #tpu.memory_space<vmem>>
          %swap3A_165 = arith.constant 96 : index
          %swap3A_166 = tpu.vector_load %swap3A_164[%swap3A_165] {strides = array<i32>} : memref<128xi32, #tpu.memory_space<vmem>>, vector<16xi32>,
          tpu.vector_store %swap3A_164[%swap3A_165], %select_n3A_161 {strides = array<i32>} : memref<128xi32, #tpu.memory_space<vmem>>, vector<16xi32>,
          %convert_element_type3A_167 = arith.extui %lt3A_160 : vector<16xi1> to vector<16xi32>
          %or3A_168 = arith.ori %or3A_149, %convert_element_type3A_167 : vector<16xi32>
          %mul3A_169 = arith.constant 128 : i32
          %mul3A_170 = arith.muli %scan3A_43, %mul3A_169 : i32
          %add3A_171 = arith.constant 112 : i32
          %add3A_172 = arith.addi %mul3A_170, %add3A_171 : i32
          %get3A_173 = arith.index_cast %add3A_172 : i32 to index
          %get3A_174 = tpu.vector_load %arg4[%get3A_173] {strides = array<i32>} : memref<4096xi32, #tpu.memory_space<vmem>>, vector<16xi32>,
          %iota3A_175 = tpu.iota {dimensions = array<i32: 0>} : vector<16xi32>
          %add3A_176 = vector.broadcast %add3A_172 : i32 to vector<16xi32>
          %add3A_177 = arith.addi %add3A_176, %iota3A_175 : vector<16xi32>
          %gather3A_178 = tpu.vector_load_idx %arg5[%get3A_174] : memref<50000xi32, #tpu.memory_space<vmem>>[vector<16xi32>], vector<16xi32>,
          %lt3A_179 = arith.cmpi slt, %gather3A_178, %add3A_177 : vector<16xi32>
          tpu.vector_store_idx %arg5[%get3A_174], %add3A_177 masked %lt3A_179 : memref<50000xi32, #tpu.memory_space<vmem>>[vector<16xi32>], vector<16xi32>, vector<16xi1>
          %select_n3A_180 = arith.select %lt3A_179, %add3A_177, %gather3A_178 : vector<16xi1>, vector<16xi32>
          %swap3A_181 = arith.constant 0 : i32
          %swap3A_182 = tpu.memref_slice %arg6[%scan3A_43, %swap3A_181] : memref<32x128xi32, #tpu.memory_space<vmem>> -> memref<1x128xi32, #tpu.memory_space<vmem>>
          %swap3A_183 = tpu.memref_squeeze %swap3A_182 : memref<1x128xi32, #tpu.memory_space<vmem>> -> memref<128xi32, #tpu.memory_space<vmem>>
          %swap3A_184 = arith.constant 112 : index
          %swap3A_185 = tpu.vector_load %swap3A_183[%swap3A_184] {strides = array<i32>} : memref<128xi32, #tpu.memory_space<vmem>>, vector<16xi32>,
          tpu.vector_store %swap3A_183[%swap3A_184], %select_n3A_180 {strides = array<i32>} : memref<128xi32, #tpu.memory_space<vmem>>, vector<16xi32>,
          %convert_element_type3A_186 = arith.extui %lt3A_179 : vector<16xi1> to vector<16xi32>
          %or3A_187 = arith.ori %or3A_168, %convert_element_type3A_186 : vector<16xi32>
          scf.yield %or3A_187 : vector<16xi32>
        }
        %scan3A_32 = arith.constant 32 : i32
        %reduce_max3A_33 = arith.constant true
        %reduce_max3A_34 = vector.broadcast %reduce_max3A_33 : i1 to vector<16xi1>
        %reduce_max3A_35 = arith.constant -2147483648 : i32
        %reduce_max3A_36 = vector.broadcast %reduce_max3A_35 : i32 to vector<16xi32>
        %reduce_max3A_37 = arith.xori %scan3A_31, %reduce_max3A_36 : vector<16xi32>
        %reduce_max3A_38 = tpu.scan <max>, %reduce_max3A_37 masked %reduce_max3A_34 : vector<16xi32>, vector<16xi1> -> vector<16xi32>
        %reduce_max3A_39 = arith.xori %reduce_max3A_38, %reduce_max3A_36 : vector<16xi32>
        %reduce_max3A_40 = vector.extract %reduce_max3A_39[15] : i32 from vector<16xi32>
        %gt3A_41 = arith.constant 0 : i32
        %gt3A_42 = arith.cmpi sgt, %reduce_max3A_40, %gt3A_41 : i32
        scf.yield %gt3A_42 : i1
      }
      "tpu.region"() ({
        %run_scoped3A = tpu.sem_alloc : memref<!tpu.dma_semaphore, #tpu.memory_space<semaphore_mem>>
        tpu.enqueue_dma source(%arg6 : memref<32x128xi32, #tpu.memory_space<vmem>>) target(%arg3 : memref<32x128xi32, #tpu.memory_space<hbm>>) target_semaphore(%run_scoped3A : memref<!tpu.dma_semaphore, #tpu.memory_space<semaphore_mem>>)
        tpu.wait_dma2 semaphore(%run_scoped3A : memref<!tpu.dma_semaphore, #tpu.memory_space<semaphore_mem>>) src(%arg6 : memref<32x128xi32, #tpu.memory_space<vmem>>) dst(%arg3 : memref<32x128xi32, #tpu.memory_space<hbm>>)
        tpu.yield
      }) : () -> ()
    } else {
    }
    return
  }
}

module attributes {stable_mosaic.version = 14 : i64} {
  func.func @_tc_body(%arg0: i32, %arg1: memref<512x512xf32, #tpu.memory_space<vmem>>, %arg2: memref<8x64x128xf32, #tpu.memory_space<vmem>>, %arg3: memref<8x128xf32, #tpu.memory_space<vmem>>, %arg4: memref<1024x10xf32, #tpu.memory_space<vmem>>, %arg5: memref<1x10xf32, #tpu.memory_space<vmem>>, %arg6: memref<512x128xf32, #tpu.memory_space<vmem>>, %arg7: memref<512x128xf32, #tpu.memory_space<vmem>>, %arg8: memref<1x128xf32, #tpu.memory_space<vmem>>) attributes {dimension_semantics = [#tpu.dimension_semantics<arbitrary>], iteration_bounds = array<i64: 8>, scalar_prefetch = 0 : i64, scratch_operands = 2 : i64, tpu.core_type = #tpu.core_type<tc>, window_params = [{transform_indices = @transform_0, window_bounds = array<i64: 512, 512>}, {pipeline_mode = #tpu.pipeline_mode<synchronous>, transform_indices = @transform_1, window_bounds = array<i64: 8, 64, 128>}, {pipeline_mode = #tpu.pipeline_mode<synchronous>, transform_indices = @transform_2, window_bounds = array<i64: 8, 128>}, {pipeline_mode = #tpu.pipeline_mode<synchronous>, transform_indices = @transform_3, window_bounds = array<i64: 1024, 10>}, {pipeline_mode = #tpu.pipeline_mode<synchronous>, transform_indices = @transform_4, window_bounds = array<i64: 1, 10>}, {transform_indices = @transform_5, window_bounds = array<i64: 512, 128>}]} {
    %eq3A = arith.constant 0 : i32
    %eq3A_0 = arith.cmpi eq, %arg0, %eq3A : i32
    %convert_element_type3A = arith.extui %eq3A_0 : i1 to i32
    %cond3A = arith.constant 0 : i32
    %cond3A_1 = arith.cmpi ne, %convert_element_type3A, %cond3A : i32
    scf.if %cond3A_1 {
      %get3A_14 = arith.constant 0 : index
      %get3A_15 = arith.constant 0 : index
      %get3A_16 = vector.load %arg5[%get3A_14, %get3A_15] : memref<1x10xf32, #tpu.memory_space<vmem>>, vector<1x10xf32>
      %jit3A = arith.constant 0 : i32
      %convert_element_type3A_17 = arith.sitofp %jit3A : i32 to f32
      %pad3A = vector.broadcast %convert_element_type3A_17 : f32 to vector<1x118xf32>
      %pad3A_18 = tpu.concatenate %get3A_16, %pad3A in 1 : vector<1x10xf32>, vector<1x118xf32> -> vector<1x128xf32>
      %get3A_19 = arith.constant 0 : index
      %get3A_20 = arith.constant 0 : index
      %get3A_21 = vector.load %arg4[%get3A_19, %get3A_20] : memref<1024x10xf32, #tpu.memory_space<vmem>>, vector<128x10xf32>
      %jit3A_22 = arith.constant 0 : i32
      %convert_element_type3A_23 = arith.sitofp %jit3A_22 : i32 to f32
      %pad3A_24 = vector.broadcast %convert_element_type3A_23 : f32 to vector<128x118xf32>
      %pad3A_25 = tpu.concatenate %get3A_21, %pad3A_24 in 1 : vector<128x10xf32>, vector<128x118xf32> -> vector<128x128xf32>
      %get3A_26 = arith.constant 0 : index
      %get3A_27 = arith.constant 0 : index
      %get3A_28 = arith.constant 0 : index
      %get3A_29 = vector.load %arg2[%get3A_26, %get3A_27, %get3A_28] : memref<8x64x128xf32, #tpu.memory_space<vmem>>, vector<1x64x128xf32>
      %get3A_30 = vector.shape_cast %get3A_29 : vector<1x64x128xf32> to vector<64x128xf32>
      %dot_general3A_31 = arith.constant dense<0.000000e+00> : vector<64x128xf32>
      %dot_general3A_32 = tpu.matmul %get3A_30, %pad3A_25, %dot_general3A_31 {dimension_numbers = #tpu.dot_dimension_numbers<[1], [0], [0], [1], [0, 0, 1, 1], [], []>, transpose_lhs_hint = false} : vector<64x128xf32>, vector<128x128xf32>, vector<64x128xf32> -> vector<64x128xf32>
      %swap3A_33 = arith.constant 0 : index
      %swap3A_34 = arith.constant 0 : index
      %swap3A_35 = vector.load %arg7[%swap3A_33, %swap3A_34] : memref<512x128xf32, #tpu.memory_space<vmem>>, vector<64x128xf32>
      tpu.vector_store %arg7[%swap3A_33, %swap3A_34], %dot_general3A_32 {strides = array<i32>} : memref<512x128xf32, #tpu.memory_space<vmem>>, vector<64x128xf32>,
      %get3A_36 = arith.constant 0 : index
      %get3A_37 = arith.constant 0 : index
      %get3A_38 = vector.load %arg3[%get3A_36, %get3A_37] : memref<8x128xf32, #tpu.memory_space<vmem>>, vector<1x128xf32>
      %dot_general3A_39 = arith.constant dense<0.000000e+00> : vector<1x128xf32>
      %dot_general3A_40 = tpu.matmul %get3A_38, %pad3A_25, %dot_general3A_39 {dimension_numbers = #tpu.dot_dimension_numbers<[1], [0], [0], [1], [0, 0, 1, 1], [], []>, transpose_lhs_hint = false} : vector<1x128xf32>, vector<128x128xf32>, vector<1x128xf32> -> vector<1x128xf32>
      %add3A_41 = arith.addf %pad3A_18, %dot_general3A_40 : vector<1x128xf32>
      %get3A_42 = arith.constant 128 : index
      %get3A_43 = arith.constant 0 : index
      %get3A_44 = vector.load %arg4[%get3A_42, %get3A_43] : memref<1024x10xf32, #tpu.memory_space<vmem>>, vector<128x10xf32>
      %jit3A_45 = arith.constant 0 : i32
      %convert_element_type3A_46 = arith.sitofp %jit3A_45 : i32 to f32
      %pad3A_47 = vector.broadcast %convert_element_type3A_46 : f32 to vector<128x118xf32>
      %pad3A_48 = tpu.concatenate %get3A_44, %pad3A_47 in 1 : vector<128x10xf32>, vector<128x118xf32> -> vector<128x128xf32>
      %get3A_49 = arith.constant 1 : index
      %get3A_50 = arith.constant 0 : index
      %get3A_51 = arith.constant 0 : index
      %get3A_52 = vector.load %arg2[%get3A_49, %get3A_50, %get3A_51] : memref<8x64x128xf32, #tpu.memory_space<vmem>>, vector<1x64x128xf32>
      %get3A_53 = vector.shape_cast %get3A_52 : vector<1x64x128xf32> to vector<64x128xf32>
      %dot_general3A_54 = arith.constant dense<0.000000e+00> : vector<64x128xf32>
      %dot_general3A_55 = tpu.matmul %get3A_53, %pad3A_48, %dot_general3A_54 {dimension_numbers = #tpu.dot_dimension_numbers<[1], [0], [0], [1], [0, 0, 1, 1], [], []>, transpose_lhs_hint = false} : vector<64x128xf32>, vector<128x128xf32>, vector<64x128xf32> -> vector<64x128xf32>
      %swap3A_56 = arith.constant 64 : index
      %swap3A_57 = arith.constant 0 : index
      %swap3A_58 = vector.load %arg7[%swap3A_56, %swap3A_57] : memref<512x128xf32, #tpu.memory_space<vmem>>, vector<64x128xf32>
      tpu.vector_store %arg7[%swap3A_56, %swap3A_57], %dot_general3A_55 {strides = array<i32>} : memref<512x128xf32, #tpu.memory_space<vmem>>, vector<64x128xf32>,
      %get3A_59 = arith.constant 1 : index
      %get3A_60 = arith.constant 0 : index
      %get3A_61 = vector.load %arg3[%get3A_59, %get3A_60] : memref<8x128xf32, #tpu.memory_space<vmem>>, vector<1x128xf32>
      %dot_general3A_62 = arith.constant dense<0.000000e+00> : vector<1x128xf32>
      %dot_general3A_63 = tpu.matmul %get3A_61, %pad3A_48, %dot_general3A_62 {dimension_numbers = #tpu.dot_dimension_numbers<[1], [0], [0], [1], [0, 0, 1, 1], [], []>, transpose_lhs_hint = false} : vector<1x128xf32>, vector<128x128xf32>, vector<1x128xf32> -> vector<1x128xf32>
      %add3A_64 = arith.addf %add3A_41, %dot_general3A_63 : vector<1x128xf32>
      %get3A_65 = arith.constant 256 : index
      %get3A_66 = arith.constant 0 : index
      %get3A_67 = vector.load %arg4[%get3A_65, %get3A_66] : memref<1024x10xf32, #tpu.memory_space<vmem>>, vector<128x10xf32>
      %jit3A_68 = arith.constant 0 : i32
      %convert_element_type3A_69 = arith.sitofp %jit3A_68 : i32 to f32
      %pad3A_70 = vector.broadcast %convert_element_type3A_69 : f32 to vector<128x118xf32>
      %pad3A_71 = tpu.concatenate %get3A_67, %pad3A_70 in 1 : vector<128x10xf32>, vector<128x118xf32> -> vector<128x128xf32>
      %get3A_72 = arith.constant 2 : index
      %get3A_73 = arith.constant 0 : index
      %get3A_74 = arith.constant 0 : index
      %get3A_75 = vector.load %arg2[%get3A_72, %get3A_73, %get3A_74] : memref<8x64x128xf32, #tpu.memory_space<vmem>>, vector<1x64x128xf32>
      %get3A_76 = vector.shape_cast %get3A_75 : vector<1x64x128xf32> to vector<64x128xf32>
      %dot_general3A_77 = arith.constant dense<0.000000e+00> : vector<64x128xf32>
      %dot_general3A_78 = tpu.matmul %get3A_76, %pad3A_71, %dot_general3A_77 {dimension_numbers = #tpu.dot_dimension_numbers<[1], [0], [0], [1], [0, 0, 1, 1], [], []>, transpose_lhs_hint = false} : vector<64x128xf32>, vector<128x128xf32>, vector<64x128xf32> -> vector<64x128xf32>
      %swap3A_79 = arith.constant 128 : index
      %swap3A_80 = arith.constant 0 : index
      %swap3A_81 = vector.load %arg7[%swap3A_79, %swap3A_80] : memref<512x128xf32, #tpu.memory_space<vmem>>, vector<64x128xf32>
      tpu.vector_store %arg7[%swap3A_79, %swap3A_80], %dot_general3A_78 {strides = array<i32>} : memref<512x128xf32, #tpu.memory_space<vmem>>, vector<64x128xf32>,
      %get3A_82 = arith.constant 2 : index
      %get3A_83 = arith.constant 0 : index
      %get3A_84 = vector.load %arg3[%get3A_82, %get3A_83] : memref<8x128xf32, #tpu.memory_space<vmem>>, vector<1x128xf32>
      %dot_general3A_85 = arith.constant dense<0.000000e+00> : vector<1x128xf32>
      %dot_general3A_86 = tpu.matmul %get3A_84, %pad3A_71, %dot_general3A_85 {dimension_numbers = #tpu.dot_dimension_numbers<[1], [0], [0], [1], [0, 0, 1, 1], [], []>, transpose_lhs_hint = false} : vector<1x128xf32>, vector<128x128xf32>, vector<1x128xf32> -> vector<1x128xf32>
      %add3A_87 = arith.addf %add3A_64, %dot_general3A_86 : vector<1x128xf32>
      %get3A_88 = arith.constant 384 : index
      %get3A_89 = arith.constant 0 : index
      %get3A_90 = vector.load %arg4[%get3A_88, %get3A_89] : memref<1024x10xf32, #tpu.memory_space<vmem>>, vector<128x10xf32>
      %jit3A_91 = arith.constant 0 : i32
      %convert_element_type3A_92 = arith.sitofp %jit3A_91 : i32 to f32
      %pad3A_93 = vector.broadcast %convert_element_type3A_92 : f32 to vector<128x118xf32>
      %pad3A_94 = tpu.concatenate %get3A_90, %pad3A_93 in 1 : vector<128x10xf32>, vector<128x118xf32> -> vector<128x128xf32>
      %get3A_95 = arith.constant 3 : index
      %get3A_96 = arith.constant 0 : index
      %get3A_97 = arith.constant 0 : index
      %get3A_98 = vector.load %arg2[%get3A_95, %get3A_96, %get3A_97] : memref<8x64x128xf32, #tpu.memory_space<vmem>>, vector<1x64x128xf32>
      %get3A_99 = vector.shape_cast %get3A_98 : vector<1x64x128xf32> to vector<64x128xf32>
      %dot_general3A_100 = arith.constant dense<0.000000e+00> : vector<64x128xf32>
      %dot_general3A_101 = tpu.matmul %get3A_99, %pad3A_94, %dot_general3A_100 {dimension_numbers = #tpu.dot_dimension_numbers<[1], [0], [0], [1], [0, 0, 1, 1], [], []>, transpose_lhs_hint = false} : vector<64x128xf32>, vector<128x128xf32>, vector<64x128xf32> -> vector<64x128xf32>
      %swap3A_102 = arith.constant 192 : index
      %swap3A_103 = arith.constant 0 : index
      %swap3A_104 = vector.load %arg7[%swap3A_102, %swap3A_103] : memref<512x128xf32, #tpu.memory_space<vmem>>, vector<64x128xf32>
      tpu.vector_store %arg7[%swap3A_102, %swap3A_103], %dot_general3A_101 {strides = array<i32>} : memref<512x128xf32, #tpu.memory_space<vmem>>, vector<64x128xf32>,
      %get3A_105 = arith.constant 3 : index
      %get3A_106 = arith.constant 0 : index
      %get3A_107 = vector.load %arg3[%get3A_105, %get3A_106] : memref<8x128xf32, #tpu.memory_space<vmem>>, vector<1x128xf32>
      %dot_general3A_108 = arith.constant dense<0.000000e+00> : vector<1x128xf32>
      %dot_general3A_109 = tpu.matmul %get3A_107, %pad3A_94, %dot_general3A_108 {dimension_numbers = #tpu.dot_dimension_numbers<[1], [0], [0], [1], [0, 0, 1, 1], [], []>, transpose_lhs_hint = false} : vector<1x128xf32>, vector<128x128xf32>, vector<1x128xf32> -> vector<1x128xf32>
      %add3A_110 = arith.addf %add3A_87, %dot_general3A_109 : vector<1x128xf32>
      %get3A_111 = arith.constant 512 : index
      %get3A_112 = arith.constant 0 : index
      %get3A_113 = vector.load %arg4[%get3A_111, %get3A_112] : memref<1024x10xf32, #tpu.memory_space<vmem>>, vector<128x10xf32>
      %jit3A_114 = arith.constant 0 : i32
      %convert_element_type3A_115 = arith.sitofp %jit3A_114 : i32 to f32
      %pad3A_116 = vector.broadcast %convert_element_type3A_115 : f32 to vector<128x118xf32>
      %pad3A_117 = tpu.concatenate %get3A_113, %pad3A_116 in 1 : vector<128x10xf32>, vector<128x118xf32> -> vector<128x128xf32>
      %get3A_118 = arith.constant 4 : index
      %get3A_119 = arith.constant 0 : index
      %get3A_120 = arith.constant 0 : index
      %get3A_121 = vector.load %arg2[%get3A_118, %get3A_119, %get3A_120] : memref<8x64x128xf32, #tpu.memory_space<vmem>>, vector<1x64x128xf32>
      %get3A_122 = vector.shape_cast %get3A_121 : vector<1x64x128xf32> to vector<64x128xf32>
      %dot_general3A_123 = arith.constant dense<0.000000e+00> : vector<64x128xf32>
      %dot_general3A_124 = tpu.matmul %get3A_122, %pad3A_117, %dot_general3A_123 {dimension_numbers = #tpu.dot_dimension_numbers<[1], [0], [0], [1], [0, 0, 1, 1], [], []>, transpose_lhs_hint = false} : vector<64x128xf32>, vector<128x128xf32>, vector<64x128xf32> -> vector<64x128xf32>
      %swap3A_125 = arith.constant 256 : index
      %swap3A_126 = arith.constant 0 : index
      %swap3A_127 = vector.load %arg7[%swap3A_125, %swap3A_126] : memref<512x128xf32, #tpu.memory_space<vmem>>, vector<64x128xf32>
      tpu.vector_store %arg7[%swap3A_125, %swap3A_126], %dot_general3A_124 {strides = array<i32>} : memref<512x128xf32, #tpu.memory_space<vmem>>, vector<64x128xf32>,
      %get3A_128 = arith.constant 4 : index
      %get3A_129 = arith.constant 0 : index
      %get3A_130 = vector.load %arg3[%get3A_128, %get3A_129] : memref<8x128xf32, #tpu.memory_space<vmem>>, vector<1x128xf32>
      %dot_general3A_131 = arith.constant dense<0.000000e+00> : vector<1x128xf32>
      %dot_general3A_132 = tpu.matmul %get3A_130, %pad3A_117, %dot_general3A_131 {dimension_numbers = #tpu.dot_dimension_numbers<[1], [0], [0], [1], [0, 0, 1, 1], [], []>, transpose_lhs_hint = false} : vector<1x128xf32>, vector<128x128xf32>, vector<1x128xf32> -> vector<1x128xf32>
      %add3A_133 = arith.addf %add3A_110, %dot_general3A_132 : vector<1x128xf32>
      %get3A_134 = arith.constant 640 : index
      %get3A_135 = arith.constant 0 : index
      %get3A_136 = vector.load %arg4[%get3A_134, %get3A_135] : memref<1024x10xf32, #tpu.memory_space<vmem>>, vector<128x10xf32>
      %jit3A_137 = arith.constant 0 : i32
      %convert_element_type3A_138 = arith.sitofp %jit3A_137 : i32 to f32
      %pad3A_139 = vector.broadcast %convert_element_type3A_138 : f32 to vector<128x118xf32>
      %pad3A_140 = tpu.concatenate %get3A_136, %pad3A_139 in 1 : vector<128x10xf32>, vector<128x118xf32> -> vector<128x128xf32>
      %get3A_141 = arith.constant 5 : index
      %get3A_142 = arith.constant 0 : index
      %get3A_143 = arith.constant 0 : index
      %get3A_144 = vector.load %arg2[%get3A_141, %get3A_142, %get3A_143] : memref<8x64x128xf32, #tpu.memory_space<vmem>>, vector<1x64x128xf32>
      %get3A_145 = vector.shape_cast %get3A_144 : vector<1x64x128xf32> to vector<64x128xf32>
      %dot_general3A_146 = arith.constant dense<0.000000e+00> : vector<64x128xf32>
      %dot_general3A_147 = tpu.matmul %get3A_145, %pad3A_140, %dot_general3A_146 {dimension_numbers = #tpu.dot_dimension_numbers<[1], [0], [0], [1], [0, 0, 1, 1], [], []>, transpose_lhs_hint = false} : vector<64x128xf32>, vector<128x128xf32>, vector<64x128xf32> -> vector<64x128xf32>
      %swap3A_148 = arith.constant 320 : index
      %swap3A_149 = arith.constant 0 : index
      %swap3A_150 = vector.load %arg7[%swap3A_148, %swap3A_149] : memref<512x128xf32, #tpu.memory_space<vmem>>, vector<64x128xf32>
      tpu.vector_store %arg7[%swap3A_148, %swap3A_149], %dot_general3A_147 {strides = array<i32>} : memref<512x128xf32, #tpu.memory_space<vmem>>, vector<64x128xf32>,
      %get3A_151 = arith.constant 5 : index
      %get3A_152 = arith.constant 0 : index
      %get3A_153 = vector.load %arg3[%get3A_151, %get3A_152] : memref<8x128xf32, #tpu.memory_space<vmem>>, vector<1x128xf32>
      %dot_general3A_154 = arith.constant dense<0.000000e+00> : vector<1x128xf32>
      %dot_general3A_155 = tpu.matmul %get3A_153, %pad3A_140, %dot_general3A_154 {dimension_numbers = #tpu.dot_dimension_numbers<[1], [0], [0], [1], [0, 0, 1, 1], [], []>, transpose_lhs_hint = false} : vector<1x128xf32>, vector<128x128xf32>, vector<1x128xf32> -> vector<1x128xf32>
      %add3A_156 = arith.addf %add3A_133, %dot_general3A_155 : vector<1x128xf32>
      %get3A_157 = arith.constant 768 : index
      %get3A_158 = arith.constant 0 : index
      %get3A_159 = vector.load %arg4[%get3A_157, %get3A_158] : memref<1024x10xf32, #tpu.memory_space<vmem>>, vector<128x10xf32>
      %jit3A_160 = arith.constant 0 : i32
      %convert_element_type3A_161 = arith.sitofp %jit3A_160 : i32 to f32
      %pad3A_162 = vector.broadcast %convert_element_type3A_161 : f32 to vector<128x118xf32>
      %pad3A_163 = tpu.concatenate %get3A_159, %pad3A_162 in 1 : vector<128x10xf32>, vector<128x118xf32> -> vector<128x128xf32>
      %get3A_164 = arith.constant 6 : index
      %get3A_165 = arith.constant 0 : index
      %get3A_166 = arith.constant 0 : index
      %get3A_167 = vector.load %arg2[%get3A_164, %get3A_165, %get3A_166] : memref<8x64x128xf32, #tpu.memory_space<vmem>>, vector<1x64x128xf32>
      %get3A_168 = vector.shape_cast %get3A_167 : vector<1x64x128xf32> to vector<64x128xf32>
      %dot_general3A_169 = arith.constant dense<0.000000e+00> : vector<64x128xf32>
      %dot_general3A_170 = tpu.matmul %get3A_168, %pad3A_163, %dot_general3A_169 {dimension_numbers = #tpu.dot_dimension_numbers<[1], [0], [0], [1], [0, 0, 1, 1], [], []>, transpose_lhs_hint = false} : vector<64x128xf32>, vector<128x128xf32>, vector<64x128xf32> -> vector<64x128xf32>
      %swap3A_171 = arith.constant 384 : index
      %swap3A_172 = arith.constant 0 : index
      %swap3A_173 = vector.load %arg7[%swap3A_171, %swap3A_172] : memref<512x128xf32, #tpu.memory_space<vmem>>, vector<64x128xf32>
      tpu.vector_store %arg7[%swap3A_171, %swap3A_172], %dot_general3A_170 {strides = array<i32>} : memref<512x128xf32, #tpu.memory_space<vmem>>, vector<64x128xf32>,
      %get3A_174 = arith.constant 6 : index
      %get3A_175 = arith.constant 0 : index
      %get3A_176 = vector.load %arg3[%get3A_174, %get3A_175] : memref<8x128xf32, #tpu.memory_space<vmem>>, vector<1x128xf32>
      %dot_general3A_177 = arith.constant dense<0.000000e+00> : vector<1x128xf32>
      %dot_general3A_178 = tpu.matmul %get3A_176, %pad3A_163, %dot_general3A_177 {dimension_numbers = #tpu.dot_dimension_numbers<[1], [0], [0], [1], [0, 0, 1, 1], [], []>, transpose_lhs_hint = false} : vector<1x128xf32>, vector<128x128xf32>, vector<1x128xf32> -> vector<1x128xf32>
      %add3A_179 = arith.addf %add3A_156, %dot_general3A_178 : vector<1x128xf32>
      %get3A_180 = arith.constant 896 : index
      %get3A_181 = arith.constant 0 : index
      %get3A_182 = vector.load %arg4[%get3A_180, %get3A_181] : memref<1024x10xf32, #tpu.memory_space<vmem>>, vector<128x10xf32>
      %jit3A_183 = arith.constant 0 : i32
      %convert_element_type3A_184 = arith.sitofp %jit3A_183 : i32 to f32
      %pad3A_185 = vector.broadcast %convert_element_type3A_184 : f32 to vector<128x118xf32>
      %pad3A_186 = tpu.concatenate %get3A_182, %pad3A_185 in 1 : vector<128x10xf32>, vector<128x118xf32> -> vector<128x128xf32>
      %get3A_187 = arith.constant 7 : index
      %get3A_188 = arith.constant 0 : index
      %get3A_189 = arith.constant 0 : index
      %get3A_190 = vector.load %arg2[%get3A_187, %get3A_188, %get3A_189] : memref<8x64x128xf32, #tpu.memory_space<vmem>>, vector<1x64x128xf32>
      %get3A_191 = vector.shape_cast %get3A_190 : vector<1x64x128xf32> to vector<64x128xf32>
      %dot_general3A_192 = arith.constant dense<0.000000e+00> : vector<64x128xf32>
      %dot_general3A_193 = tpu.matmul %get3A_191, %pad3A_186, %dot_general3A_192 {dimension_numbers = #tpu.dot_dimension_numbers<[1], [0], [0], [1], [0, 0, 1, 1], [], []>, transpose_lhs_hint = false} : vector<64x128xf32>, vector<128x128xf32>, vector<64x128xf32> -> vector<64x128xf32>
      %swap3A_194 = arith.constant 448 : index
      %swap3A_195 = arith.constant 0 : index
      %swap3A_196 = vector.load %arg7[%swap3A_194, %swap3A_195] : memref<512x128xf32, #tpu.memory_space<vmem>>, vector<64x128xf32>
      tpu.vector_store %arg7[%swap3A_194, %swap3A_195], %dot_general3A_193 {strides = array<i32>} : memref<512x128xf32, #tpu.memory_space<vmem>>, vector<64x128xf32>,
      %get3A_197 = arith.constant 7 : index
      %get3A_198 = arith.constant 0 : index
      %get3A_199 = vector.load %arg3[%get3A_197, %get3A_198] : memref<8x128xf32, #tpu.memory_space<vmem>>, vector<1x128xf32>
      %dot_general3A_200 = arith.constant dense<0.000000e+00> : vector<1x128xf32>
      %dot_general3A_201 = tpu.matmul %get3A_199, %pad3A_186, %dot_general3A_200 {dimension_numbers = #tpu.dot_dimension_numbers<[1], [0], [0], [1], [0, 0, 1, 1], [], []>, transpose_lhs_hint = false} : vector<1x128xf32>, vector<128x128xf32>, vector<1x128xf32> -> vector<1x128xf32>
      %add3A_202 = arith.addf %add3A_179, %dot_general3A_201 : vector<1x128xf32>
      %swap3A_203 = arith.constant 0 : index
      %swap3A_204 = arith.constant 0 : index
      %swap3A_205 = vector.load %arg8[%swap3A_203, %swap3A_204] : memref<1x128xf32, #tpu.memory_space<vmem>>, vector<1x128xf32>
      tpu.vector_store %arg8[%swap3A_203, %swap3A_204], %add3A_202 {strides = array<i32>} : memref<1x128xf32, #tpu.memory_space<vmem>>, vector<1x128xf32>,
    } else {
    }
    %get3A = arith.constant 0 : index
    %get3A_2 = arith.constant 0 : index
    %get3A_3 = vector.load %arg1[%get3A, %get3A_2] : memref<512x512xf32, #tpu.memory_space<vmem>>, vector<512x512xf32>
    %get3A_4 = arith.constant 0 : index
    %get3A_5 = arith.constant 0 : index
    %get3A_6 = vector.load %arg7[%get3A_4, %get3A_5] : memref<512x128xf32, #tpu.memory_space<vmem>>, vector<512x128xf32>
    %dot_general3A = arith.constant dense<0.000000e+00> : vector<512x128xf32>
    %dot_general3A_7 = tpu.matmul %get3A_3, %get3A_6, %dot_general3A {dimension_numbers = #tpu.dot_dimension_numbers<[1], [0], [0], [1], [0, 0, 1, 1], [], []>, transpose_lhs_hint = false} : vector<512x512xf32>, vector<512x128xf32>, vector<512x128xf32> -> vector<512x128xf32>
    %get3A_8 = arith.constant 0 : index
    %get3A_9 = arith.constant 0 : index
    %get3A_10 = vector.load %arg8[%get3A_8, %get3A_9] : memref<1x128xf32, #tpu.memory_space<vmem>>, vector<1x128xf32>
    %add3A = vector.broadcast %get3A_10 : vector<1x128xf32> to vector<512x128xf32>
    %add3A_11 = arith.addf %dot_general3A_7, %add3A : vector<512x128xf32>
    %swap3A = arith.constant 0 : index
    %swap3A_12 = arith.constant 0 : index
    %swap3A_13 = vector.load %arg6[%swap3A, %swap3A_12] : memref<512x128xf32, #tpu.memory_space<vmem>>, vector<512x128xf32>
    tpu.vector_store %arg6[%swap3A, %swap3A_12], %add3A_11 {strides = array<i32>} : memref<512x128xf32, #tpu.memory_space<vmem>>, vector<512x128xf32>,
    return
  }
  func.func @transform_0(%arg0: i32) -> (i32, i32) {
    %c0_i32 = arith.constant 0 : i32
    %c0_i32_0 = arith.constant 0 : i32
    return %arg0, %c0_i32 : i32, i32
  }
  func.func @transform_1(%arg0: i32) -> (i32, i32, i32) {
    %c0_i32 = arith.constant 0 : i32
    %c0_i32_0 = arith.constant 0 : i32
    %c0_i32_1 = arith.constant 0 : i32
    %c0_i32_2 = arith.constant 0 : i32
    return %c0_i32, %c0_i32_0, %c0_i32_1 : i32, i32, i32
  }
  func.func @transform_2(%arg0: i32) -> (i32, i32) {
    %c0_i32 = arith.constant 0 : i32
    %c0_i32_0 = arith.constant 0 : i32
    %c0_i32_1 = arith.constant 0 : i32
    return %c0_i32, %c0_i32_0 : i32, i32
  }
  func.func @transform_3(%arg0: i32) -> (i32, i32) {
    %c0_i32 = arith.constant 0 : i32
    %c0_i32_0 = arith.constant 0 : i32
    %c0_i32_1 = arith.constant 0 : i32
    return %c0_i32, %c0_i32_0 : i32, i32
  }
  func.func @transform_4(%arg0: i32) -> (i32, i32) {
    %c0_i32 = arith.constant 0 : i32
    %c0_i32_0 = arith.constant 0 : i32
    %c0_i32_1 = arith.constant 0 : i32
    return %c0_i32, %c0_i32_0 : i32, i32
  }
  func.func @transform_5(%arg0: i32) -> (i32, i32) {
    %c0_i32 = arith.constant 0 : i32
    %c0_i32_0 = arith.constant 0 : i32
    return %arg0, %c0_i32 : i32, i32
  }
}

</mosaic_0001>

<sc_bundles>
// kernel: kernel.5.cloned.1.call-start
scs
__scs_entry_jumppad:
0x0: {  	(pc) =	sbr.rel $0x88, $3  }
0x1: {  	(tag) =	ssettag $0x0;
	lr =	simm.s32 $0x1  }
0x2: {  	[smem:$0x3F9B] =	sst lr;
	_ =	strace $0xD0000000  }
0x3: {  	_ = 	snop  }
0x4: {  	_ = 	snop  }
0x5: {  	_ = 	snop  }
0x6: {  	_ = 	snop  }
0x7: {  	_ = 	snop  }
__scs_overlays_trampoline_lowered:
0x8: {  	[smem:$0x3FAA] =	sst s0  }
0x9: {  	[smem:$0x3FAB] =	sst s1  }
0xa: {  	[smem:$0x3FAC] =	sst s2  }
0xb: {  	[smem:$0x3FAD] =	sst s3  }
0xc: {  	[smem:$0x3FAE] =	sst s4  }
0xd: {  	[smem:$0x3FAF] =	sst s5  }
0xe: {  	[smem:$0x3FB0] =	sst s6  }
0xf: {  	[smem:$0x3FB1] =	sst s7  }
0x10: {  	[smem:$0x3FB2] =	sst s8  }
0x11: {  	[smem:$0x3FB3] =	sst s9;
	s0 =	simm.s32 @!p0 $0x0  }
0x12: {  	s1 =	sld [smem:$0x3F99];
	s0 =	simm.s32 @p0 $0x1  }
0x13: {  	[smem:$0x3FB4] =	sst s0;
	s0 =	simm.s32 @!p1 $0x0  }
0x14: {  	s2 =	sld [smem:$0x3F98];
	s0 =	simm.s32 @p1 $0x1  }
0x15: {  	[smem:$0x3FB5] =	sst s0;
	s0 =	simm.s32 @!p2 $0x0  }
0x16: {  	s3 =	sld [smem:$0x3FDB];
	s0 =	simm.s32 @p2 $0x1  }
0x17: {  	s4 =	simm.s32 $0x1BF5;
	[smem:$0x3FB7] =	sst s0  }
0x18: {  	s0 =	sld [smem:$0x3F9A];
	_ =	swait.ge [sflag:s4], $0x0  }
0x19: {  	s7 =	sld [smem:$0x3F9B]  }
0x1a: {  	s8 =	sadd.s32 $0xFFFFE003, lr  }
0x1b: {  	s9 =	sadd.s32 $0xFFFFFEF7, lr;
	s5 =	simm.s32 $0xFFFFFFFF;
	p2 =	slt.u32 s8, $0xFFFFF086  }
0x1c: {  	p1 =	slt.u32 s9, $0xF7A;
	s5 =	simm.s32 @!p2 $0x0  }
0x1d: {  	s5 =	simm.s32 @p1 $0x1;
	p0 =	seq.s32 s7, s2  }
0x1e: {  	s7 =	smul.u32 @!p0 $0xF7A, s2;
	p2 =	seq.s32 @!p0 s5, $0x0  }
0x1f: {  	s9 =	smul.u32 $0xF7A, s1;
	s8 =	simm.s32 @!p0 $0x1BF5;
	p2 =	por !p2, p0  }
0x20: {  	[sflag:s8] =	ssyncset.s32 @!p0 $0xFFFFF086;
	s6 =	sadd.s32 @!p0 s3, s7;
	s7 =	simm.s32 @!p0 $0x108  }
0x21: {  	s3 =	sadd.s32 s3, s9;
	s6 =	sadd.s32 @!p0 $0x88, s6;
	s7 =	simm.s32 @p2 $0x1082  }
0x22: {  	[simem:s7], [sflag:s8] =	dma.local @!p0 [hbm:s6], $0xF7A  }
0x23: {  	s9 =	sor.u32 $0xD0000000, s2;
	s6 =	simm.s32 $0x108;
	_ =	swait.ge @!p0 [sflag:s8], $0x0  }
0x24: {  	s3 =	sadd.s32 $0x88, s3;
	s6 =	simm.s32 @!p1 $0x1082;
	[sflag:s4] =	ssyncset.s32 $0xFFFFF086  }
0x25: {  	[simem:s6], [sflag:s4] =	dma.local [hbm:s3], $0xF7A  }
0x26: {  	[smem:$0x3F9B] =	sst s1;
	(tag) =	ssettag s2;
	_ =	strace s9  }
0x27: {  	s1 =	sld [smem:$0x3FAB]  }
0x28: {  	s2 =	sld [smem:$0x3FAC]  }
0x29: {  	s4 =	sld [smem:$0x3FAE]  }
0x2a: {  	p0 =	seq.s32 s5, $0x0;
	s5 =	sld [smem:$0x3FAF]  }
0x2b: {  	s6 =	sld [smem:$0x3FB0]  }
0x2c: {  	s7 =	sld [smem:$0x3FB1]  }
0x2d: {  	s3 =	simm.s32 $0x108;
	s8 =	sld [smem:$0x3FB2]  }
0x2e: {  	s3 =	simm.s32 @!p0 $0x1082;
	s9 =	sld [smem:$0x3FB3]  }
0x2f: {  	lr =	sadd.s32 s0, s3;
	s0 =	sld [smem:$0x3FAA]  }
0x30: {  	s3 =	sld [smem:$0x3FAD]  }
0x31: {  	[smem:$0x3FB6] =	sst s10  }
0x32: {  	s10 =	sld [smem:$0x3FB4];
	_ =	sdelay $0x3  }
0x33: {  	p0 =	seq.s32 s10, $0x1;
	s10 =	sld [smem:$0x3FB6];
	_ =	sdelay $0x3  }
0x34: {  	[smem:$0x3FB6] =	sst s10  }
0x35: {  	s10 =	sld [smem:$0x3FB5];
	_ =	sdelay $0x3  }
0x36: {  	p1 =	seq.s32 s10, $0x1;
	s10 =	sld [smem:$0x3FB6];
	_ =	sdelay $0x3  }
0x37: {  	[smem:$0x3FB6] =	sst s10  }
0x38: {  	s10 =	sld [smem:$0x3FB7]  }
0x39: {  	_ = 	snop;
	(pc) =	sbr.ind lr, $3  }
0x3a: {  	_ = 	snop  }
0x3b: {  	_ = 	snop  }
0x3c: {  	p2 =	seq.s32 s10, $0x1;
	s10 =	sld [smem:$0x3FB6]  }
0x3d: {  	_ =	shalt  }
0x3e: {  	_ =	shalt  }
0x3f: {  	_ =	shalt  }
0x40: {  	_ =	shalt  }
0x41: {  	_ =	shalt  }
0x42: {  	_ =	shalt  }
0x43: {  	_ =	shalt  }
0x44: {  	_ =	shalt  }
0x45: {  	_ =	shalt  }
0x46: {  	_ =	shalt  }
0x47: {  	_ =	shalt  }
0x48: {  	_ =	shalt  }
0x49: {  	_ =	shalt  }
0x4a: {  	_ =	shalt  }
0x4b: {  	_ =	shalt  }
0x4c: {  	_ =	shalt  }
0x4d: {  	_ =	shalt  }
0x4e: {  	_ =	shalt  }
0x4f: {  	_ =	shalt  }
0x50: {  	_ =	shalt  }
0x51: {  	_ =	shalt  }
0x52: {  	_ =	shalt  }
0x53: {  	_ =	shalt  }
0x54: {  	_ =	shalt  }
0x55: {  	_ =	shalt  }
0x56: {  	_ =	shalt  }
0x57: {  	_ =	shalt  }
0x58: {  	_ =	shalt  }
0x59: {  	_ =	shalt  }
0x5a: {  	_ =	shalt  }
0x5b: {  	_ =	shalt  }
0x5c: {  	_ =	shalt  }
0x5d: {  	_ =	shalt  }
0x5e: {  	_ =	shalt  }
0x5f: {  	_ =	shalt  }
0x60: {  	_ =	shalt  }
0x61: {  	_ =	shalt  }
0x62: {  	_ =	shalt  }
0x63: {  	_ =	shalt  }
0x64: {  	_ =	shalt  }
0x65: {  	_ =	shalt  }
0x66: {  	_ =	shalt  }
0x67: {  	_ =	shalt  }
0x68: {  	_ =	shalt  }
0x69: {  	_ =	shalt  }
0x6a: {  	_ =	shalt  }
0x6b: {  	_ =	shalt  }
0x6c: {  	_ =	shalt  }
0x6d: {  	_ =	shalt  }
0x6e: {  	_ =	shalt  }
0x6f: {  	_ =	shalt  }
0x70: {  	_ =	shalt  }
0x71: {  	_ =	shalt  }
0x72: {  	_ =	shalt  }
0x73: {  	_ =	shalt  }
0x74: {  	_ =	shalt  }
0x75: {  	_ =	shalt  }
0x76: {  	_ =	shalt  }
0x77: {  	_ =	shalt  }
0x78: {  	_ =	shalt  }
0x79: {  	_ =	shalt  }
0x7a: {  	_ =	shalt  }
0x7b: {  	_ =	shalt  }
0x7c: {  	_ =	shalt  }
0x7d: {  	_ =	shalt  }
0x7e: {  	_ =	shalt  }
0x7f: {  	_ =	shalt  }
0x80: {  	_ =	shalt  }
0x81: {  	_ =	shalt  }
0x82: {  	_ =	shalt  }
0x83: {  	_ =	shalt  }
0x84: {  	_ =	shalt  }
0x85: {  	_ =	shalt  }
0x86: {  	_ =	shalt  }
0x87: {  	_ =	shalt  }
.Lfunc_end0:
.L_simem_size_0:
called_computation_lowered:
.L_overlay_start_0:
0x88: {  	s2 =	sld [smem:$0x3FD9]  }
0x89: {  	s3 =	sld [smem:$0x3FFE];
	_ =	sdelay $0x1  }
0x8a: {  	s1 =	srdreg.scid  }
0x8b: {  	s0 =	sand.u32 $0x1, s1  }
0x8c: {  	s18 =	sshll.u32 s0, $0xA;
	s2 =	sadd.s32 s3, s2  }
0x8d: {  	s2 =	sadd.s32 s2, s18  }
0x8e: {  	[smem:$0x3FC2] =	sst s2  }
0x8f: {  	_ = 	snop  }
0x90: {  	s2 =	sld [smem:$0x3FC8]  }
0x91: {  	s19 =	sld [smem:$0x3FD0];
	(tm) =	ssettm $0x1  }
0x92: {  	s4 =	sld [smem:$0x3FFB];
	_ =	sdelay $0x3  }
0x93: {  	_ =	strace s4  }
0x94: {  	s4 =	sld [smem:$0x3FFC];
	_ =	sdelay $0x3  }
0x95: {  	_ =	strace s4  }
0x96: {  	s4 =	sld [smem:$0x3FFD];
	_ =	sdelay $0x3  }
0x97: {  	_ =	strace s4  }
0x98: {  	_ =	strace $0x8FFFFFFF  }
0x99: {  	s20 =	sld [smem:$0x3FDB];
	_ =	sdelay $0x1  }
0x9a: {  	s5 =	simm.s32 $_scs_section_size  }
0x9b: {  	s6 =	simm.s32 $_size__tile_overlayer_lowered;
	s7 =	simm.s32 $_tile_overlayer_lowered  }
0x9c: {  	s23 =	simm.s32 $0x1BFF;
	s22 =	sshll.u32 s7, $0x1;
	s4 =	sadd.s32 s5, s20  }
0x9d: {  	s8 =	simm.s32 $0x0;
	s21 =	sshll.u32 s6, $0x1;
	s6 =	sadd.s32 s22, s4  }
0x9e: {  	[timem:s8], [sflag:s23] =	dma.local [hbm:s6], s21  }
0x9f: {  	_ =	swait.ge [sflag:s23], s21  }
0xa0: {  	s5 =	ssub.s32 $0x0, s21;
	[sflag:s23] =	ssyncset.done $0x0  }
0xa1: {  	[sflag:s23] =	ssyncadd.s32 s5;
	_ =	sdelay $0x1  }
0xa2: {  	s24 =	simm.s32 $0x1B8B  }
0xa3: {  	_ =	swait.ge [sflag:s24], $0x1  }
0xa4: {  	[sflag:s24] =	ssyncset.done $0x0  }
0xa5: {  	s25 =	simm.s32 $0x1B8E;
	[sflag:s24] =	ssyncadd.s32 $0xFFFFFFFF  }
0xa6: {  	s26 =	simm.s32 $execute0_lowered;
	[smem:$0x3FD2] =	sst s25  }
0xa7: {  	s5 =	sshll.u32 s26, $0x1;
	_ =	strace $0x80000046;
	[dreg:$0x1] =	wrdreg $0xFFFFFFFF  }
0xa8: {  	s28 =	simm.s32 $_size_execute0_lowered;
	s4 =	sadd.s32 s4, s5;
	[dreg:$0x0] =	wrdreg $0x0  }
0xa9: {  	s5 =	sshll.u32 s28, $0x1;
	[dreg:$0x2] =	wrdreg s4  }
0xaa: {  	[dreg:$0x3] =	wrdreg s5  }
0xab: {  	[dreg:$0x4] =	wrdreg $0xC0  }
0xac: {  	_ =	task [dreg:s8], $0x5FFFF  }
0xad: {  	[dreg:$0x1] =	wrdreg $0xFFFFFFFF  }
0xae: {  	[dreg:$0x0] =	wrdreg $0x60  }
0xaf: {  	[dreg:$0x2] =	wrdreg s2  }
0xb0: {  	[dreg:$0x3] =	wrdreg s19  }
0xb1: {  	[dreg:$0x4] =	wrdreg $0x9  }
0xb2: {  	_ =	task.clear_ibuf [dreg:s8], $0x5FFFF;
	_ =	strace $0x90000046  }
0xb3: {  	s29 =	simm.s32 $0x9;
	_ =	strace $0x80000048  }
0xb4: {  	_ =	swait.ge [sflag:s29], $0x1  }
0xb5: {  	[sflag:s29] =	ssyncadd.s32 $0xFFFFFFFF  }
0xb6: {  	_ =	strace $0x90000048  }
0xb7: {  	_ =	sfence  }
0xb8: {  	s30 =	sld [smem:$0x0];
	_ =	sdelay $0x2  }
0xb9: {  	s31 =	sshll.u32 s1, $0xD;
	s1 =	sshrl.u32 s1, $0x2  }
0xba: {  	s3 =	sand.u32 $0x4000, s31;
	s1 =	sadd.s32 s1, s30  }
0xbb: {  	s0 =	sor.u32 s3, s0;
	s1 =	sshll.u32 s1, $0x11  }
0xbc: {  	s0 =	sor.u32 s1, s0  }
0xbd: {  	s0 =	sadd.s32 $0x8F2B, s0  }
0xbe: {  	[sflag:s0] =	ssyncadd.remote.s32 $0x1  }
0xbf: {  	_ =	sfence.sel $0xFFFF  }
0xc0: {  	[dreg:$0x0] =	wrdreg $0xFFFFFFFF;
	(pc) =	sbr.abs _section_cstart, $3  }
0xc1: {  	[dreg:$0x1] =	wrdreg $0xFFFFFFFF  }
0xc2: {  	_ =	task.clear_ibuf [dreg:s8], $0x2FFFF;
	_ =	strace $0x9FFFFFFF  }
0xc3: {  	(tm) =	ssettm $0x7FFFFFFF  }
tec
execute0_lowered:
.L_overlay_start_1:
0x0: {  	(tag) =	ssettag $0x1  }
0x1: {  	s0 =	srdreg.scid  }
0x2: {  	s4 =	sand.u32 $0x1, s0;
	s0 =	stileid.u32  }
0x3: {  	s5 =	sor.u32 s0, s4  }
0x4: {  	p0 =	sne.s32 s5, $0x0  }
.Ltmp0:
0x5: {  	_ = 	snop;
	(pc) =	sbr.rel @!p0 .LBB2_1-.Ltmp0, $4  }
0x6: {  	_ = 	snop  }
0x7: {  	s2 =	rddreg [dreg:$0x0]  }
0x8: {  	s3 =	rddreg [dreg:$0x1]  }
0x9: {  	s1 =	rddreg [dreg:$0x2];
	_ =	strace $0x80000047  }
.LBB2_10:
0xa: {  	_ =	sfence.sel $0x180000  }
0xb: {  	[bflag:$0x0] =	sbarrier.arrive $0xFFFF  }
0xc: {  	p0 =	sne.s32 s0, $0x0;
	_ =	strace $0x90000047  }
0xd: {  	s0 =	sadd.s32 @!p0 $0x100000, s1;
	[bflag:$0x2] =	sbarrier.arrive $0xFFFF  }
0xe: {  	[sflag:s0] =	ssyncadd.tile.s32 @!p0 $0x1;
	_ =	shalt  }
.LBB2_1:
.Ltmp1:
0xf: {  	(pc) =	sbr.rel .LBB2_2-.Ltmp1, $4  }
0x10: {  	_ = 	snop  }
0x11: {  	s4 =	ssub.s32 $0x2, s4;
	s6 =	simm.s32 $0x1  }
0x12: {  	s7 =	simm.s32 $0x1000;
	s8 =	simm.s32 $0xD380;
	s5 =	sshrl.u32 s4, $0x1  }
0x13: {  	v0 =	vlaneseq.u32;
	v1 =	vimm.s32 $0x0;
	s9 =	simm.s32 $0x0;
	s4 =	ssub.s32 s4, s5;
	s5 =	simm.s32 $0x0  }
.LBB2_9:
0x14: {  	s9 =	sadd.s32 $0x1, s9  }
0x15: {  	p0 =	sne.s32 s9, s4  }
.Ltmp2:
0x16: {  	_ = 	snop;
	(pc) =	sbr.rel @!p0 .LBB2_10-.Ltmp2, $4  }
0x17: {  	[hbm4b:s3+s5] =	stream.linear.scatter [tilespmem:s8], [sflag:$0x1], $0x1000, $0x38;
	[tilespmem:$0xE380] =	vst v63  }
0x18: {  	_ =	swait.ge [sflag:s6], $0x1000  }
0x19: {  	[sflag:s6] =	ssyncset.done $0x0  }
0x1a: {  	[sflag:s6] =	ssyncadd.s32 $0xFFFFF000  }
.LBB2_2:
0x1b: {  	[tilespmem:s5], [sflag:$0x1] =	stream.linear.gather [hbm4b:s2+s5], $0x1000, $0x38;
	[tilespmem:$0xE380] =	vst v63  }
0x1c: {  	_ =	swait.ge [sflag:s6], $0x1000  }
0x1d: {  	s10 =	simm.s32 $0x70;
	s11 =	simm.s32 $0x40;
	[sflag:s6] =	ssyncset.done $0x0  }
0x1e: {  	s12 =	simm.s32 $0x40;
	s13 =	simm.s32 $0x70;
	[sflag:s6] =	ssyncadd.s32 $0xFFFFF000  }
.LBB2_3:
0x1f: {  	v2 =	vld [tilespmem:s12+$0xFFFFFFC0];
	_ =	sdelay $0x5  }
0x20: {  	s14 =	sadd.s32 $0xFFFFFF90, s13  }
0x21: {  	v3 =	vor.u32 s14, v0  }
0x22: {  	[tilespmem:v2+s7+$0x0] =	vst.idx.msk $0xffff, v3  }
0x23: {  	v2 =	vld [tilespmem:s12+$0xFFFFFFD0];
	_ =	sdelay $0x5  }
0x24: {  	s25 =	sadd.s32 $0xFFFFFFA0, s13  }
0x25: {  	v3 =	vor.u32 s25, v0  }
0x26: {  	[tilespmem:v2+s7+$0x0] =	vst.idx.msk $0xffff, v3  }
0x27: {  	v2 =	vld [tilespmem:s12+$0xFFFFFFE0];
	_ =	sdelay $0x5  }
0x28: {  	s26 =	sadd.s32 $0xFFFFFFB0, s13  }
0x29: {  	v3 =	vor.u32 s26, v0  }
0x2a: {  	[tilespmem:v2+s7+$0x0] =	vst.idx.msk $0xffff, v3  }
0x2b: {  	v2 =	vld [tilespmem:s12+$0xFFFFFFF0];
	_ =	sdelay $0x5  }
0x2c: {  	s28 =	sadd.s32 $0xFFFFFFC0, s13  }
0x2d: {  	v3 =	vor.u32 s28, v0  }
0x2e: {  	[tilespmem:v2+s7+$0x0] =	vst.idx.msk $0xffff, v3  }
0x2f: {  	v2 =	vld [tilespmem:s12+$0x0];
	_ =	sdelay $0x5  }
0x30: {  	s29 =	sadd.s32 $0xFFFFFFD0, s13  }
0x31: {  	v3 =	vor.u32 s29, v0  }
0x32: {  	[tilespmem:v2+s7+$0x0] =	vst.idx.msk $0xffff, v3  }
0x33: {  	v2 =	vld [tilespmem:s12+$0x10];
	_ =	sdelay $0x5  }
0x34: {  	s30 =	sadd.s32 $0xFFFFFFE0, s13  }
0x35: {  	v3 =	vor.u32 s30, v0  }
0x36: {  	[tilespmem:v2+s7+$0x0] =	vst.idx.msk $0xffff, v3  }
0x37: {  	v2 =	vld [tilespmem:s12+$0x20];
	_ =	sdelay $0x5  }
0x38: {  	s31 =	sadd.s32 $0xFFFFFFF0, s13  }
0x39: {  	v3 =	vor.u32 s31, v0  }
0x3a: {  	[tilespmem:v2+s7+$0x0] =	vst.idx.msk $0xffff, v3  }
0x3b: {  	v2 =	vld [tilespmem:s12+$0x30];
	_ =	sdelay $0x2  }
0x3c: {  	p0 =	sne.s32 s13, $0xFF0  }
.Ltmp3:
0x3d: {  	_ = 	snop;
	(pc) =	sbr.rel @p0 .LBB2_3-.Ltmp3, $3  }
0x3e: {  	_ =	sdelay $0x1  }
0x3f: {  	v3 =	vor.u32 s13, v0  }
0x40: {  	s13 =	sadd.s32 $0x80, s13;
	s12 =	sadd.s32 $0x80, s12;
	[tilespmem:v2+s7+$0x0] =	vst.idx.msk $0xffff, v3  }
0x41: {  	v2 =	vimm.s32 $0x0;
	s12 =	simm.s32 $0xD3C0  }
.LBB2_5:
0x42: {  	v3 =	vld [tilespmem:s11+$0xFFFFFFC0];
	_ =	sdelay $0x7  }
0x43: {  	v4 =	vld.idx.msk [tilespmem:v3+s7+$0x0], $0xffff;
	_ =	sdelay $0x2  }
0x44: {  	s13 =	sadd.s32 $0xFFFFFF90, s10  }
0x45: {  	v5 =	vor.u32 s13, v0  }
0x46: {  	vm0 =	vlt.s32 v4, v5;
	_ =	sdelay $0x5  }
0x47: {  	[tilespmem:v3+s7+$0x0] =	vst.idx.msk vm0, v5;
	v3 =	vsel vm0, v5, v4  }
0x48: {  	[tilespmem:s12+$0xFFFFFFC0] =	vst v3  }
0x49: {  	v3 =	vld [tilespmem:s11+$0xFFFFFFD0];
	_ =	sdelay $0x7  }
0x4a: {  	v50 =	vld.idx.msk [tilespmem:v3+s7+$0x0], $0xffff;
	_ =	sdelay $0x2  }
0x4b: {  	s25 =	sadd.s32 $0xFFFFFFA0, s10  }
0x4c: {  	v51 =	vor.u32 s25, v0  }
0x4d: {  	vm1 =	vlt.s32 v50, v51;
	_ =	sdelay $0x5  }
0x4e: {  	[tilespmem:v3+s7+$0x0] =	vst.idx.msk vm1, v51;
	v3 =	vsel vm1, v51, v50  }
0x4f: {  	[tilespmem:s12+$0xFFFFFFD0] =	vst v3  }
0x50: {  	v3 =	vld [tilespmem:s11+$0xFFFFFFE0];
	_ =	sdelay $0x7  }
0x51: {  	v52 =	vld.idx.msk [tilespmem:v3+s7+$0x0], $0xffff;
	_ =	sdelay $0x2  }
0x52: {  	s26 =	sadd.s32 $0xFFFFFFB0, s10  }
0x53: {  	v53 =	vor.u32 s26, v0  }
0x54: {  	vm2 =	vlt.s32 v52, v53;
	_ =	sdelay $0x5  }
0x55: {  	[tilespmem:v3+s7+$0x0] =	vst.idx.msk vm2, v53;
	v3 =	vsel vm2, v53, v52  }
0x56: {  	[tilespmem:s12+$0xFFFFFFE0] =	vst v3  }
0x57: {  	v3 =	vld [tilespmem:s11+$0xFFFFFFF0];
	_ =	sdelay $0x7  }
0x58: {  	v54 =	vld.idx.msk [tilespmem:v3+s7+$0x0], $0xffff;
	_ =	sdelay $0x2  }
0x59: {  	s28 =	sadd.s32 $0xFFFFFFC0, s10  }
0x5a: {  	v55 =	vor.u32 s28, v0  }
0x5b: {  	vm3 =	vlt.s32 v54, v55;
	_ =	sdelay $0x5  }
0x5c: {  	[tilespmem:v3+s7+$0x0] =	vst.idx.msk vm3, v55;
	v3 =	vsel vm3, v55, v54  }
0x5d: {  	[tilespmem:s12+$0xFFFFFFF0] =	vst v3  }
0x5e: {  	v3 =	vld [tilespmem:s11+$0x0];
	_ =	sdelay $0x7  }
0x5f: {  	v56 =	vld.idx.msk [tilespmem:v3+s7+$0x0], $0xffff;
	_ =	sdelay $0x2  }
0x60: {  	s29 =	sadd.s32 $0xFFFFFFD0, s10  }
0x61: {  	v57 =	vor.u32 s29, v0  }
0x62: {  	vm4 =	vlt.s32 v56, v57;
	_ =	sdelay $0x5  }
0x63: {  	[tilespmem:v3+s7+$0x0] =	vst.idx.msk vm4, v57;
	v3 =	vsel vm4, v57, v56  }
0x64: {  	[tilespmem:s12+$0x0] =	vst v3  }
0x65: {  	v3 =	vld [tilespmem:s11+$0x10];
	_ =	sdelay $0x7  }
0x66: {  	v58 =	vld.idx.msk [tilespmem:v3+s7+$0x0], $0xffff;
	_ =	sdelay $0x2  }
0x67: {  	s30 =	sadd.s32 $0xFFFFFFE0, s10  }
0x68: {  	v59 =	vor.u32 s30, v0  }
0x69: {  	vm5 =	vlt.s32 v58, v59;
	_ =	sdelay $0x5  }
0x6a: {  	[tilespmem:v3+s7+$0x0] =	vst.idx.msk vm5, v59;
	v3 =	vsel vm5, v59, v58  }
0x6b: {  	[tilespmem:s12+$0x10] =	vst v3  }
0x6c: {  	v3 =	vld [tilespmem:s11+$0x20];
	_ =	sdelay $0x7  }
0x6d: {  	v60 =	vld.idx.msk [tilespmem:v3+s7+$0x0], $0xffff;
	_ =	sdelay $0x2  }
0x6e: {  	s31 =	sadd.s32 $0xFFFFFFF0, s10  }
0x6f: {  	v61 =	vor.u32 s31, v0  }
0x70: {  	vm6 =	vlt.s32 v60, v61;
	_ =	sdelay $0x5  }
0x71: {  	[tilespmem:v3+s7+$0x0] =	vst.idx.msk vm6, v61;
	v3 =	vsel vm6, v61, v60  }
0x72: {  	[tilespmem:s12+$0x20] =	vst v3  }
0x73: {  	v3 =	vld [tilespmem:s11+$0x30];
	_ =	sdelay $0x7  }
0x74: {  	v62 =	vld.idx.msk [tilespmem:v3+s7+$0x0], $0xffff;
	_ =	sdelay $0x3  }
0x75: {  	v63 =	vor.u32 s10, v0  }
0x76: {  	vm0 =	vmor vm0, vm1;
	vm15 =	vlt.s32 v62, v63  }
0x77: {  	vm0 =	vmor vm0, vm2  }
0x78: {  	vm0 =	vmor vm0, vm3  }
0x79: {  	p0 =	sne.s32 s10, $0xFF0;
	vm0 =	vmor vm0, vm4  }
.Ltmp4:
0x7a: {  	vm0 =	vmor vm0, vm5;
	(pc) =	sbr.rel @p0 .LBB2_5-.Ltmp4, $4  }
0x7b: {  	vm0 =	vmor vm0, vm6  }
0x7c: {  	vm0 =	vmor vm0, vm15;
	[tilespmem:v3+s7+$0x0] =	vst.idx.msk vm15, v63;
	v3 =	vsel vm15, v63, v62  }
0x7d: {  	[tilespmem:s12+$0x30] =	vst v3;
	v3 =	vsel vm0, $0x1, v1  }
0x7e: {  	s10 =	sadd.s32 $0x80, s10;
	s11 =	sadd.s32 $0x80, s11;
	s12 =	sadd.s32 $0x80, s12;
	v2 =	vor.u32 v3, v2  }
0x7f: {  	v2 =	vxor.u32 $0x80000000, v2  }
0x80: {  	(xrf0) =	vmax.scan.msk.u32 $0xffff, v2;
	_ =	sdelay $0x5  }
0x81: {  	v2, _, _ =	vpop (xrf0)  }
0x82: {  	(v2sf) =	vpush v2, $0xF;
	_ =	sdelay $0xe  }
0x83: {  	s10 =	spop (v2sf)  }
0x84: {  	p0 =	slt.u32 s10, $0x80000001  }
.Ltmp5:
0x85: {  	_ = 	snop;
	(pc) =	sbr.rel @p0 .LBB2_9-.Ltmp5, $1  }
0x86: {  	_ =	sdelay $0x3  }
0x87: {  	s10 =	simm.s32 $0x0;
	v2 =	vimm.s32 $0x0  }
.LBB2_8:
0x88: {  	s11 =	sshll.u32 s10, $0x7  }
0x89: {  	s12 =	sand.u32 $0x3FFFFF80, s11  }
0x8a: {  	v3 =	vld [tilespmem:s12+$0x0];
	_ =	sdelay $0x7  }
0x8b: {  	v4 =	vld.idx.msk [tilespmem:v3+s7+$0x0], $0xffff;
	_ =	sdelay $0x3  }
0x8c: {  	v5 =	vor.u32 s11, v0  }
0x8d: {  	vm0 =	vlt.s32 v4, v5;
	_ =	sdelay $0x5  }
0x8e: {  	[tilespmem:v3+s7+$0x0] =	vst.idx.msk vm0, v5;
	v3 =	vsel vm0, v5, v4  }
0x8f: {  	[tilespmem:s11+$0xD380] =	vst v3  }
0x90: {  	v3 =	vld [tilespmem:s12+$0x10];
	_ =	sdelay $0x7  }
0x91: {  	v50 =	vld.idx.msk [tilespmem:v3+s7+$0x0], $0xffff;
	_ =	sdelay $0x2  }
0x92: {  	s13 =	sor.u32 $0x10, s11  }
0x93: {  	v51 =	vor.u32 s13, v0  }
0x94: {  	vm1 =	vlt.s32 v50, v51;
	_ =	sdelay $0x5  }
0x95: {  	[tilespmem:v3+s7+$0x0] =	vst.idx.msk vm1, v51;
	v3 =	vsel vm1, v51, v50  }
0x96: {  	[tilespmem:s11+$0xD390] =	vst v3  }
0x97: {  	v3 =	vld [tilespmem:s12+$0x20];
	_ =	sdelay $0x7  }
0x98: {  	v52 =	vld.idx.msk [tilespmem:v3+s7+$0x0], $0xffff;
	_ =	sdelay $0x2  }
0x99: {  	s25 =	sor.u32 $0x20, s11  }
0x9a: {  	v53 =	vor.u32 s25, v0  }
0x9b: {  	vm2 =	vlt.s32 v52, v53;
	_ =	sdelay $0x5  }
0x9c: {  	[tilespmem:v3+s7+$0x0] =	vst.idx.msk vm2, v53;
	v3 =	vsel vm2, v53, v52  }
0x9d: {  	[tilespmem:s11+$0xD3A0] =	vst v3  }
0x9e: {  	v3 =	vld [tilespmem:s12+$0x30];
	_ =	sdelay $0x7  }
0x9f: {  	v54 =	vld.idx.msk [tilespmem:v3+s7+$0x0], $0xffff;
	_ =	sdelay $0x2  }
0xa0: {  	s26 =	sor.u32 $0x30, s11  }
0xa1: {  	v55 =	vor.u32 s26, v0  }
0xa2: {  	vm3 =	vlt.s32 v54, v55;
	_ =	sdelay $0x5  }
0xa3: {  	[tilespmem:v3+s7+$0x0] =	vst.idx.msk vm3, v55;
	v3 =	vsel vm3, v55, v54  }
0xa4: {  	[tilespmem:s11+$0xD3B0] =	vst v3  }
0xa5: {  	v3 =	vld [tilespmem:s12+$0x40];
	_ =	sdelay $0x7  }
0xa6: {  	v56 =	vld.idx.msk [tilespmem:v3+s7+$0x0], $0xffff;
	_ =	sdelay $0x2  }
0xa7: {  	s28 =	sor.u32 $0x40, s11  }
0xa8: {  	v57 =	vor.u32 s28, v0  }
0xa9: {  	vm4 =	vlt.s32 v56, v57;
	_ =	sdelay $0x5  }
0xaa: {  	[tilespmem:v3+s7+$0x0] =	vst.idx.msk vm4, v57;
	v3 =	vsel vm4, v57, v56  }
0xab: {  	[tilespmem:s11+$0xD3C0] =	vst v3  }
0xac: {  	v3 =	vld [tilespmem:s12+$0x50];
	_ =	sdelay $0x7  }
0xad: {  	v58 =	vld.idx.msk [tilespmem:v3+s7+$0x0], $0xffff;
	_ =	sdelay $0x2  }
0xae: {  	s29 =	sor.u32 $0x50, s11  }
0xaf: {  	v59 =	vor.u32 s29, v0  }
0xb0: {  	vm5 =	vlt.s32 v58, v59;
	_ =	sdelay $0x5  }
0xb1: {  	[tilespmem:v3+s7+$0x0] =	vst.idx.msk vm5, v59;
	v3 =	vsel vm5, v59, v58  }
0xb2: {  	[tilespmem:s11+$0xD3D0] =	vst v3  }
0xb3: {  	v3 =	vld [tilespmem:s12+$0x60];
	_ =	sdelay $0x7  }
0xb4: {  	v60 =	vld.idx.msk [tilespmem:v3+s7+$0x0], $0xffff;
	_ =	sdelay $0x2  }
0xb5: {  	s30 =	sor.u32 $0x60, s11  }
0xb6: {  	v61 =	vor.u32 s30, v0  }
0xb7: {  	vm6 =	vlt.s32 v60, v61;
	_ =	sdelay $0x5  }
0xb8: {  	[tilespmem:v3+s7+$0x0] =	vst.idx.msk vm6, v61;
	v3 =	vsel vm6, v61, v60  }
0xb9: {  	[tilespmem:s11+$0xD3E0] =	vst v3  }
0xba: {  	v3 =	vld [tilespmem:s12+$0x70];
	_ =	sdelay $0x7  }
0xbb: {  	vm0 =	vmor vm0, vm1;
	v62 =	vld.idx.msk [tilespmem:v3+s7+$0x0], $0xffff  }
0xbc: {  	vm0 =	vmor vm0, vm2  }
0xbd: {  	vm0 =	vmor vm0, vm3  }
0xbe: {  	s31 =	sor.u32 $0x70, s11;
	vm0 =	vmor vm0, vm4  }
0xbf: {  	v63 =	vor.u32 s31, v0;
	vm0 =	vmor vm0, vm5  }
0xc0: {  	vm0 =	vmor vm0, vm6;
	vm15 =	vlt.s32 v62, v63  }
0xc1: {  	vm0 =	vmor vm0, vm15  }
0xc2: {  	s10 =	sadd.s32 $0x1, s10;
	v6 =	vsel vm0, $0x1, v1  }
0xc3: {  	p0 =	sne.s32 s10, $0x20;
	v2 =	vor.u32 v6, v2  }
0xc4: {  	v6 =	vxor.u32 @!p0 $0x80000000, v2  }
0xc5: {  	(xrf0) =	vmax.scan.msk.u32 @!p0 $0xffff, v6;
	_ =	sdelay $0x5  }
0xc6: {  	v6, _, _ =	vpop @!p0 (xrf0)  }
0xc7: {  	(v2sf) =	vpush @!p0 v6, $0xF;
	_ =	sdelay $0xe  }
0xc8: {  	s12 =	spop @!p0 (v2sf)  }
0xc9: {  	p1 =	sgt.u32 @!p0 s12, $0x80000000  }
0xca: {  	p1 =	por p0, p1  }
.Ltmp6:
0xcb: {  	_ = 	snop;
	(pc) =	sbr.rel @p1 .LBB2_8-.Ltmp6, $3  }
0xcc: {  	_ =	sdelay $0x1  }
0xcd: {  	[tilespmem:v3+s7+$0x0] =	vst.idx.msk vm15, v63;
	v3 =	vsel vm15, v63, v62  }
0xce: {  	s10 =	simm.s32 @!p0 $0x0;
	v2 =	vpsel !p0, $0x0, v2;
	[tilespmem:s11+$0xD3F0] =	vst v3  }
.Ltmp7:
0xcf: {  	_ = 	snop;
	(pc) =	sbr.rel .LBB2_9-.Ltmp7, $1  }
0xd0: {  	_ =	sdelay $0x3  }
.Lfunc_end2:
_tile_overlayer_lowered:
.L_overlay_start_2:
0xd1: {  	(tag) =	ssettag $0x2  }
0xd2: {  	s0 =	rddreg [dreg:$0x0];
	s2 =	stileid.u32  }
0xd3: {  	s1 =	rddreg [dreg:$0x1];
	p0 =	sne.s32 s2, $0x0  }
0xd4: {  	s3 =	rddreg [dreg:$0x2];
	[bflag:$0x3] =	sbarrier.arrive $0xFFFF;
	s2 =	simm.s32 @!p0 $0x1C01  }
0xd5: {  	[timem:s3], [sflag:s2] =	dma.local @!p0 [hbm:s0], s1  }
0xd6: {  	s0 =	simm.s32 @!p0 $0x1  }
0xd7: {  	_ =	swait.ge @!p0 [sflag:s0], s1  }
0xd8: {  	s1 =	ssub.s32 @!p0 $0x0, s1;
	[sflag:s0] =	ssyncset.done @!p0 $0x0  }
0xd9: {  	[sflag:s0] =	ssyncadd.s32 @!p0 s1  }
0xda: {  	[bflag:$0x3] =	sbarrier.arrive $0xFFFF  }
0xdb: {  	_ =	shalt  }

// kernel: kernel.8.cloned.1.call-start
scs
__scs_entry_jumppad:
0x0: {  	(pc) =	sbr.rel $0x88, $3  }
0x1: {  	(tag) =	ssettag $0x0;
	lr =	simm.s32 $0x1  }
0x2: {  	[smem:$0x3F9B] =	sst lr;
	_ =	strace $0xD0000000  }
0x3: {  	_ = 	snop  }
0x4: {  	_ = 	snop  }
0x5: {  	_ = 	snop  }
0x6: {  	_ = 	snop  }
0x7: {  	_ = 	snop  }
__scs_overlays_trampoline_lowered:
0x8: {  	[smem:$0x3FAA] =	sst s0  }
0x9: {  	[smem:$0x3FAB] =	sst s1  }
0xa: {  	[smem:$0x3FAC] =	sst s2  }
0xb: {  	[smem:$0x3FAD] =	sst s3  }
0xc: {  	[smem:$0x3FAE] =	sst s4  }
0xd: {  	[smem:$0x3FAF] =	sst s5  }
0xe: {  	[smem:$0x3FB0] =	sst s6  }
0xf: {  	[smem:$0x3FB1] =	sst s7  }
0x10: {  	[smem:$0x3FB2] =	sst s8  }
0x11: {  	[smem:$0x3FB3] =	sst s9;
	s0 =	simm.s32 @!p0 $0x0  }
0x12: {  	s1 =	sld [smem:$0x3F99];
	s0 =	simm.s32 @p0 $0x1  }
0x13: {  	[smem:$0x3FB4] =	sst s0;
	s0 =	simm.s32 @!p1 $0x0  }
0x14: {  	s2 =	sld [smem:$0x3F98];
	s0 =	simm.s32 @p1 $0x1  }
0x15: {  	[smem:$0x3FB5] =	sst s0;
	s0 =	simm.s32 @!p2 $0x0  }
0x16: {  	s3 =	sld [smem:$0x3FDB];
	s0 =	simm.s32 @p2 $0x1  }
0x17: {  	s4 =	simm.s32 $0x1BF5;
	[smem:$0x3FB7] =	sst s0  }
0x18: {  	s0 =	sld [smem:$0x3F9A];
	_ =	swait.ge [sflag:s4], $0x0  }
0x19: {  	s7 =	sld [smem:$0x3F9B]  }
0x1a: {  	s8 =	sadd.s32 $0xFFFFE003, lr  }
0x1b: {  	s9 =	sadd.s32 $0xFFFFFEF7, lr;
	s5 =	simm.s32 $0xFFFFFFFF;
	p2 =	slt.u32 s8, $0xFFFFF086  }
0x1c: {  	p1 =	slt.u32 s9, $0xF7A;
	s5 =	simm.s32 @!p2 $0x0  }
0x1d: {  	s5 =	simm.s32 @p1 $0x1;
	p0 =	seq.s32 s7, s2  }
0x1e: {  	s7 =	smul.u32 @!p0 $0xF7A, s2;
	p2 =	seq.s32 @!p0 s5, $0x0  }
0x1f: {  	s9 =	smul.u32 $0xF7A, s1;
	s8 =	simm.s32 @!p0 $0x1BF5;
	p2 =	por !p2, p0  }
0x20: {  	[sflag:s8] =	ssyncset.s32 @!p0 $0xFFFFF086;
	s6 =	sadd.s32 @!p0 s3, s7;
	s7 =	simm.s32 @!p0 $0x108  }
0x21: {  	s3 =	sadd.s32 s3, s9;
	s6 =	sadd.s32 @!p0 $0x88, s6;
	s7 =	simm.s32 @p2 $0x1082  }
0x22: {  	[simem:s7], [sflag:s8] =	dma.local @!p0 [hbm:s6], $0xF7A  }
0x23: {  	s9 =	sor.u32 $0xD0000000, s2;
	s6 =	simm.s32 $0x108;
	_ =	swait.ge @!p0 [sflag:s8], $0x0  }
0x24: {  	s3 =	sadd.s32 $0x88, s3;
	s6 =	simm.s32 @!p1 $0x1082;
	[sflag:s4] =	ssyncset.s32 $0xFFFFF086  }
0x25: {  	[simem:s6], [sflag:s4] =	dma.local [hbm:s3], $0xF7A  }
0x26: {  	[smem:$0x3F9B] =	sst s1;
	(tag) =	ssettag s2;
	_ =	strace s9  }
0x27: {  	s1 =	sld [smem:$0x3FAB]  }
0x28: {  	s2 =	sld [smem:$0x3FAC]  }
0x29: {  	s4 =	sld [smem:$0x3FAE]  }
0x2a: {  	p0 =	seq.s32 s5, $0x0;
	s5 =	sld [smem:$0x3FAF]  }
0x2b: {  	s6 =	sld [smem:$0x3FB0]  }
0x2c: {  	s7 =	sld [smem:$0x3FB1]  }
0x2d: {  	s3 =	simm.s32 $0x108;
	s8 =	sld [smem:$0x3FB2]  }
0x2e: {  	s3 =	simm.s32 @!p0 $0x1082;
	s9 =	sld [smem:$0x3FB3]  }
0x2f: {  	lr =	sadd.s32 s0, s3;
	s0 =	sld [smem:$0x3FAA]  }
0x30: {  	s3 =	sld [smem:$0x3FAD]  }
0x31: {  	[smem:$0x3FB6] =	sst s10  }
0x32: {  	s10 =	sld [smem:$0x3FB4];
	_ =	sdelay $0x3  }
0x33: {  	p0 =	seq.s32 s10, $0x1;
	s10 =	sld [smem:$0x3FB6];
	_ =	sdelay $0x3  }
0x34: {  	[smem:$0x3FB6] =	sst s10  }
0x35: {  	s10 =	sld [smem:$0x3FB5];
	_ =	sdelay $0x3  }
0x36: {  	p1 =	seq.s32 s10, $0x1;
	s10 =	sld [smem:$0x3FB6];
	_ =	sdelay $0x3  }
0x37: {  	[smem:$0x3FB6] =	sst s10  }
0x38: {  	s10 =	sld [smem:$0x3FB7]  }
0x39: {  	_ = 	snop;
	(pc) =	sbr.ind lr, $3  }
0x3a: {  	_ = 	snop  }
0x3b: {  	_ = 	snop  }
0x3c: {  	p2 =	seq.s32 s10, $0x1;
	s10 =	sld [smem:$0x3FB6]  }
0x3d: {  	_ =	shalt  }
0x3e: {  	_ =	shalt  }
0x3f: {  	_ =	shalt  }
0x40: {  	_ =	shalt  }
0x41: {  	_ =	shalt  }
0x42: {  	_ =	shalt  }
0x43: {  	_ =	shalt  }
0x44: {  	_ =	shalt  }
0x45: {  	_ =	shalt  }
0x46: {  	_ =	shalt  }
0x47: {  	_ =	shalt  }
0x48: {  	_ =	shalt  }
0x49: {  	_ =	shalt  }
0x4a: {  	_ =	shalt  }
0x4b: {  	_ =	shalt  }
0x4c: {  	_ =	shalt  }
0x4d: {  	_ =	shalt  }
0x4e: {  	_ =	shalt  }
0x4f: {  	_ =	shalt  }
0x50: {  	_ =	shalt  }
0x51: {  	_ =	shalt  }
0x52: {  	_ =	shalt  }
0x53: {  	_ =	shalt  }
0x54: {  	_ =	shalt  }
0x55: {  	_ =	shalt  }
0x56: {  	_ =	shalt  }
0x57: {  	_ =	shalt  }
0x58: {  	_ =	shalt  }
0x59: {  	_ =	shalt  }
0x5a: {  	_ =	shalt  }
0x5b: {  	_ =	shalt  }
0x5c: {  	_ =	shalt  }
0x5d: {  	_ =	shalt  }
0x5e: {  	_ =	shalt  }
0x5f: {  	_ =	shalt  }
0x60: {  	_ =	shalt  }
0x61: {  	_ =	shalt  }
0x62: {  	_ =	shalt  }
0x63: {  	_ =	shalt  }
0x64: {  	_ =	shalt  }
0x65: {  	_ =	shalt  }
0x66: {  	_ =	shalt  }
0x67: {  	_ =	shalt  }
0x68: {  	_ =	shalt  }
0x69: {  	_ =	shalt  }
0x6a: {  	_ =	shalt  }
0x6b: {  	_ =	shalt  }
0x6c: {  	_ =	shalt  }
0x6d: {  	_ =	shalt  }
0x6e: {  	_ =	shalt  }
0x6f: {  	_ =	shalt  }
0x70: {  	_ =	shalt  }
0x71: {  	_ =	shalt  }
0x72: {  	_ =	shalt  }
0x73: {  	_ =	shalt  }
0x74: {  	_ =	shalt  }
0x75: {  	_ =	shalt  }
0x76: {  	_ =	shalt  }
0x77: {  	_ =	shalt  }
0x78: {  	_ =	shalt  }
0x79: {  	_ =	shalt  }
0x7a: {  	_ =	shalt  }
0x7b: {  	_ =	shalt  }
0x7c: {  	_ =	shalt  }
0x7d: {  	_ =	shalt  }
0x7e: {  	_ =	shalt  }
0x7f: {  	_ =	shalt  }
0x80: {  	_ =	shalt  }
0x81: {  	_ =	shalt  }
0x82: {  	_ =	shalt  }
0x83: {  	_ =	shalt  }
0x84: {  	_ =	shalt  }
0x85: {  	_ =	shalt  }
0x86: {  	_ =	shalt  }
0x87: {  	_ =	shalt  }
.Lfunc_end0:
.L_simem_size_0:
called_computation.1_lowered:
.L_overlay_start_0:
0x88: {  	s2 =	sld [smem:$0x3FD9]  }
0x89: {  	s3 =	sld [smem:$0x3FFE];
	_ =	sdelay $0x1  }
0x8a: {  	s1 =	srdreg.scid  }
0x8b: {  	s0 =	sand.u32 $0x1, s1  }
0x8c: {  	s17 =	sshll.u32 s0, $0xA;
	s2 =	sadd.s32 s3, s2  }
0x8d: {  	s2 =	sadd.s32 s2, s17  }
0x8e: {  	[smem:$0x3FC2] =	sst s2  }
0x8f: {  	_ = 	snop  }
0x90: {  	s2 =	sld [smem:$0x3FD0];
	(tm) =	ssettm $0x1  }
0x91: {  	s18 =	sld [smem:$0x3FFB];
	_ =	sdelay $0x3  }
0x92: {  	_ =	strace s18  }
0x93: {  	s3 =	sld [smem:$0x3FFC];
	_ =	sdelay $0x3  }
0x94: {  	_ =	strace s3  }
0x95: {  	s3 =	sld [smem:$0x3FFD];
	_ =	sdelay $0x3  }
0x96: {  	_ =	strace s3  }
0x97: {  	_ =	strace $0x8FFFFFFF  }
0x98: {  	s19 =	sld [smem:$0x3FDB];
	_ =	sdelay $0x1  }
0x99: {  	s4 =	simm.s32 $_scs_section_size  }
0x9a: {  	s5 =	simm.s32 $_size__tile_overlayer_lowered;
	s6 =	simm.s32 $_tile_overlayer_lowered  }
0x9b: {  	s22 =	simm.s32 $0x1BFF;
	s21 =	sshll.u32 s6, $0x1;
	s3 =	sadd.s32 s4, s19  }
0x9c: {  	s7 =	simm.s32 $0x0;
	s20 =	sshll.u32 s5, $0x1;
	s5 =	sadd.s32 s21, s3  }
0x9d: {  	[timem:s7], [sflag:s22] =	dma.local [hbm:s5], s20  }
0x9e: {  	_ =	swait.ge [sflag:s22], s20  }
0x9f: {  	s4 =	ssub.s32 $0x0, s20;
	[sflag:s22] =	ssyncset.done $0x0  }
0xa0: {  	[sflag:s22] =	ssyncadd.s32 s4;
	_ =	sdelay $0x1  }
0xa1: {  	s23 =	simm.s32 $0x1B8B  }
0xa2: {  	_ =	swait.ge [sflag:s23], $0x1  }
0xa3: {  	[sflag:s23] =	ssyncset.done $0x0  }
0xa4: {  	s25 =	simm.s32 $0x1B8E;
	s24 =	sld [smem:$0x3FFE];
	[sflag:s23] =	ssyncadd.s32 $0xFFFFFFFF  }
0xa5: {  	s26 =	simm.s32 $execute0_lowered;
	[smem:$0x3FD2] =	sst s25  }
0xa6: {  	s5 =	sshll.u32 s26, $0x1;
	_ =	strace $0x80000049;
	[dreg:$0x1] =	wrdreg $0xFFFFFFFF  }
0xa7: {  	s28 =	simm.s32 $_size_execute0_lowered;
	s3 =	sadd.s32 s3, s5;
	[dreg:$0x0] =	wrdreg $0x0  }
0xa8: {  	s5 =	sshll.u32 s28, $0x1;
	[dreg:$0x2] =	wrdreg s3  }
0xa9: {  	[dreg:$0x3] =	wrdreg s5  }
0xaa: {  	[dreg:$0x4] =	wrdreg $0xC0  }
0xab: {  	_ =	task [dreg:s7], $0x5FFFF  }
0xac: {  	[dreg:$0x1] =	wrdreg $0xFFFFFFFF  }
0xad: {  	[dreg:$0x0] =	wrdreg $0x60  }
0xae: {  	[dreg:$0x2] =	wrdreg s24  }
0xaf: {  	[dreg:$0x3] =	wrdreg s2  }
0xb0: {  	[dreg:$0x4] =	wrdreg $0x9  }
0xb1: {  	_ =	task.clear_ibuf [dreg:s7], $0x5FFFF;
	_ =	strace $0x90000049  }
0xb2: {  	s29 =	simm.s32 $0x9;
	_ =	strace $0x8000004B  }
0xb3: {  	_ =	swait.ge [sflag:s29], $0x1  }
0xb4: {  	[sflag:s29] =	ssyncadd.s32 $0xFFFFFFFF  }
0xb5: {  	_ =	strace $0x9000004B  }
0xb6: {  	_ =	sfence  }
0xb7: {  	s30 =	sld [smem:$0x0];
	_ =	sdelay $0x2  }
0xb8: {  	s31 =	sshll.u32 s1, $0xD;
	s1 =	sshrl.u32 s1, $0x2  }
0xb9: {  	s3 =	sand.u32 $0x4000, s31;
	s1 =	sadd.s32 s1, s30  }
0xba: {  	s0 =	sor.u32 s3, s0;
	s1 =	sshll.u32 s1, $0x11  }
0xbb: {  	s0 =	sor.u32 s1, s0  }
0xbc: {  	s0 =	sadd.s32 $0x8F2B, s0  }
0xbd: {  	[sflag:s0] =	ssyncadd.remote.s32 $0x1  }
0xbe: {  	_ =	sfence.sel $0xFFFF  }
0xbf: {  	[dreg:$0x0] =	wrdreg $0xFFFFFFFF;
	(pc) =	sbr.abs _section_cstart, $3  }
0xc0: {  	[dreg:$0x1] =	wrdreg $0xFFFFFFFF  }
0xc1: {  	_ =	task.clear_ibuf [dreg:s7], $0x2FFFF;
	_ =	strace $0x9FFFFFFF  }
0xc2: {  	(tm) =	ssettm $0x7FFFFFFF  }
0xc3: {  	_ =	shalt  }
tec
execute0_lowered:
.L_overlay_start_1:
0x0: {  	(tag) =	ssettag $0x1  }
0x1: {  	s8 =	rddreg [dreg:$0x0];
	s1 =	srdreg.scid  }
0x2: {  	s0 =	stileid.u32;
	s3 =	rddreg [dreg:$0x1];
	s2 =	simm.s32 $0x0  }
0x3: {  	s6 =	sand.u32 $0x1, s1;
	s4 =	sshll.u32 s0, $0x1;
	s1 =	rddreg [dreg:$0x2]  }
0x4: {  	s7 =	simm.s32 $0x1;
	[smem:$0x7FF] =	sst s2;
	s9 =	sor.u32 s6, s4  }
0x5: {  	s5 =	sadd.s32 $0x1200, s8;
	_ =	strace $0x8000004A;
	s4 =	sshll.u32 s9, $0x4  }
0x6: {  	s10 =	ssub.s32 $0x2, s6;
	s4 =	sadd.s32 s3, s4;
	s3 =	simm.s32 $0x2  }
0x7: {  	[tilespmem:s2], [sflag:$0x2] =	stream.linear.gather [hbm4b:s4+s2], $0x80, $0x38;
	[tilespmem:$0x4080] =	vst v63  }
0x8: {  	s6 =	simm.s32 $0x80;
	s11 =	sshrl.u32 s10, $0x1;
	_ =	swait.ge [sflag:s3], $0x80  }
0x9: {  	s9 =	sshll.u32 s9, $0xB;
	s31 =	ssub.s32 s10, s11;
	[sflag:s3] =	ssyncset.done $0x0  }
0xa: {  	s8 =	sadd.s32 s9, s8;
	s9 =	smax.u32 s31, $0x1;
	[sflag:s3] =	ssyncadd.s32 $0xFFFFFF80  }
0xb: {  	[tilespmem:s6], [sflag:$0x1] =	stream.indirect.gather [hbm4b:s5+s6], $0x80, s2, s6, $0xb8;
	[tilespmem:$0x4080] =	vst v63  }
0xc: {  	p0 =	sne.s32 s9, $0x1;
	_ =	swait.ge [sflag:s7], $0x4000  }
.Ltmp0:
0xd: {  	[sflag:s7] =	ssyncset.done $0x0;
	(pc) =	sbr.rel @!p0 .LBB2_2-.Ltmp0, $4  }
0xe: {  	s8 =	sadd.s32 $0x11200, s8;
	[sflag:s7] =	ssyncadd.s32 $0xFFFFC000  }
0xf: {  	[hbm4b:s8+s2] =	stream.linear.scatter [tilespmem:s6], [sflag:$0x2], $0x4000, $0x38;
	[tilespmem:$0x4080] =	vst v63  }
0x10: {  	_ =	swait.ge [sflag:s3], $0x4000  }
0x11: {  	s9 =	sadd.s32 $0xFFFFFFFF, s9;
	[sflag:s3] =	ssyncset.done $0x0  }
.LBB2_1:
0x12: {  	p0 =	sne.s32 s9, $0x1;
	s9 =	sadd.s32 $0xFFFFFFFF, s9;
	[sflag:s3] =	ssyncadd.s32 $0xFFFFC000  }
0x13: {  	[tilespmem:s2], [sflag:$0x2] =	stream.linear.gather [hbm4b:s4+s2], $0x80, $0x38;
	[tilespmem:$0x4080] =	vst v63  }
0x14: {  	_ =	swait.ge [sflag:s3], $0x80  }
0x15: {  	[sflag:s3] =	ssyncset.done $0x0  }
0x16: {  	[sflag:s3] =	ssyncadd.s32 $0xFFFFFF80  }
0x17: {  	[tilespmem:s6], [sflag:$0x1] =	stream.indirect.gather [hbm4b:s5+s6], $0x80, s2, s6, $0xb8;
	[tilespmem:$0x4080] =	vst v63  }
0x18: {  	_ =	swait.ge [sflag:s7], $0x4000  }
.Ltmp1:
0x19: {  	[sflag:s7] =	ssyncset.done $0x0;
	(pc) =	sbr.rel @p0 .LBB2_1-.Ltmp1, $4  }
0x1a: {  	[sflag:s7] =	ssyncadd.s32 $0xFFFFC000  }
0x1b: {  	[hbm4b:s8+s2] =	stream.linear.scatter [tilespmem:s6], [sflag:$0x2], $0x4000, $0x38;
	[tilespmem:$0x4080] =	vst v63  }
0x1c: {  	_ =	swait.ge [sflag:s3], $0x4000  }
0x1d: {  	[sflag:s3] =	ssyncset.done $0x0  }
.LBB2_2:
0x1e: {  	[sflag:s3] =	ssyncadd.s32 $0xFFFFC000  }
0x1f: {  	_ =	sfence.sel $0x180000  }
0x20: {  	[bflag:$0x0] =	sbarrier.arrive $0xFFFF  }
0x21: {  	p0 =	sne.s32 s0, $0x0;
	_ =	strace $0x9000004A  }
0x22: {  	s0 =	sadd.s32 @!p0 $0x100000, s1;
	[bflag:$0x2] =	sbarrier.arrive $0xFFFF  }
0x23: {  	[sflag:s0] =	ssyncadd.tile.s32 @!p0 $0x1;
	_ =	shalt  }
.Lfunc_end2:
_tile_overlayer_lowered:
.L_overlay_start_2:
0x24: {  	(tag) =	ssettag $0x2  }
0x25: {  	s0 =	rddreg [dreg:$0x0];
	s2 =	stileid.u32  }
0x26: {  	s1 =	rddreg [dreg:$0x1];
	p0 =	sne.s32 s2, $0x0  }
0x27: {  	s3 =	rddreg [dreg:$0x2];
	[bflag:$0x3] =	sbarrier.arrive $0xFFFF;
	s2 =	simm.s32 @!p0 $0x1C02  }
0x28: {  	[timem:s3], [sflag:s2] =	dma.local @!p0 [hbm:s0], s1  }
0x29: {  	s0 =	simm.s32 @!p0 $0x2  }
0x2a: {  	_ =	swait.ge @!p0 [sflag:s0], s1  }
0x2b: {  	s1 =	ssub.s32 @!p0 $0x0, s1;
	[sflag:s0] =	ssyncset.done @!p0 $0x0  }
0x2c: {  	[sflag:s0] =	ssyncadd.s32 @!p0 s1  }
0x2d: {  	[bflag:$0x3] =	sbarrier.arrive $0xFFFF  }
0x2e: {  	_ =	shalt  }

</sc_bundles>
